<compile_context>
chip_gen: v7x
topology: tpu7x:2x2x1
jax: 0.10.2.dev20260603
libtpu: 0.0.44.dev20260713+nightly
codegen_flags: <defaults>
</compile_context>

<pallas_src>
import functools

import jax
import jax.numpy as jnp
from jax import lax
from jax.experimental import pallas as pl
from jax.experimental.pallas import tpu as pltpu
from jax.experimental.pallas import tpu_sc as plsc

_BATCH = 16384
_DIM = 128
_CHUNK = 128
_NBUF = 4
_CLASS_V = 1000


@functools.lru_cache(maxsize=None)
def _build(batch, dim):
    info = plsc.get_sparse_core_info()
    nw = info.num_cores * info.num_subcores
    b_per_w = batch // nw
    n_chunks = b_per_w // _CHUNK

    mesh = plsc.VectorSubcoreMesh(core_axis_name="c", subcore_axis_name="s")
    out = jax.ShapeDtypeStruct((batch, dim), jnp.float32)

    @functools.partial(
        pl.kernel,
        mesh=mesh,
        out_type=[out, out, out, out],
        scratch_types=(
            [pltpu.VMEM((b_per_w,), jnp.int32) for _ in range(4)]
            + [pltpu.VMEM((_CHUNK, dim), jnp.float32) for _ in range(_NBUF)]
            + [pltpu.VMEM_SHARED((_CLASS_V, dim), jnp.float32)]
            + [pltpu.SemaphoreType.DMA for _ in range(2 + 2 * _NBUF)]
        ),
    )
    def four_gathers(nameA, classA, nameB, classB, w_name, w_class,
                     outA, outCA, outB, outCB,
                     idx0, idx1, idx2, idx3,
                     *rest):
        rows = rest[:_NBUF]
        wc_sh = rest[_NBUF]
        sem_idx = rest[_NBUF + 1]
        sem_stage = rest[_NBUF + 2]
        sem_g = rest[_NBUF + 3:_NBUF + 3 + _NBUF]
        sem_w = rest[_NBUF + 3 + _NBUF:]
        sid = lax.axis_index("s")
        wid = sid * info.num_cores + lax.axis_index("c")
        base = wid * b_per_w

        idx_bufs = (idx0, idx1, idx2, idx3)
        idx_hbm = (nameA, classA, nameB, classB)
        outs = (outA, outCA, outB, outCB)

        idx_handles = [
            pltpu.async_copy(idx_hbm[t].at[pl.ds(base, b_per_w)],
                             idx_bufs[t], sem_idx)
            for t in range(4)
        ]

        stage_rows = _CLASS_V // 5

        @pl.when(sid < 5)
        def _stage():
            pltpu.async_copy(
                w_class.at[pl.ds(sid * stage_rows, stage_rows)],
                wc_sh.at[pl.ds(sid * stage_rows, stage_rows)],
                sem_stage).wait()

        for h in idx_handles:
            h.wait()

        name_items = [(t, c) for t in (0, 2) for c in range(n_chunks)]
        class_items = [(t, c) for t in (1, 3) for c in range(n_chunks)]

        g_handles = [None] * _NBUF
        w_handles = [None] * _NBUF
        state = {"prev": None, "i": 0}

        def run_items(items, src_for_t):
            for (t, c) in items:
                i = state["i"]
                b = i % _NBUF
                if w_handles[b] is not None:
                    w_handles[b].wait()
                g_handles[b] = pltpu.async_copy(
                    src_for_t[t].at[idx_bufs[t].at[pl.ds(c * _CHUNK, _CHUNK)]],
                    rows[b], sem_g[b])
                if state["prev"] is not None:
                    pi, pt, pc = state["prev"]
                    pb = pi % _NBUF
                    g_handles[pb].wait()
                    w_handles[pb] = pltpu.async_copy(
                        rows[pb],
                        outs[pt].at[pl.ds(base + pc * _CHUNK, _CHUNK)],
                        sem_w[pb])
                state["prev"] = (i, t, c)
                state["i"] += 1

        srcs = {0: w_name, 2: w_name, 1: wc_sh, 3: wc_sh}
        run_items(name_items, srcs)
        plsc.subcore_barrier()
        run_items(class_items, srcs)

        pi, pt, pc = state["prev"]
        pb = pi % _NBUF
        g_handles[pb].wait()
        w_handles[pb] = pltpu.async_copy(
            rows[pb], outs[pt].at[pl.ds(base + pc * _CHUNK, _CHUNK)],
            sem_w[pb])
        for h in w_handles:
            if h is not None:
                h.wait()

    return four_gathers


def kernel(nameA, classA, nameB, classB, W_name, W_class):
    fn = _build(_BATCH, _DIM)
    return tuple(fn(nameA, classA, nameB, classB, W_name, W_class))

# --- scband reference (transcript-rebuilt; emitter-appended) ---
"""Pipeline reference for scband-your-model-60438779789640 (READ-ONLY COPY).

The authoritative reference and input builder live on the scoring server;
editing this copy changes nothing except your own understanding.
"""

import jax, jax.numpy as jnp
import numpy as np

NAME_VOCAB = 100000
CLASS_VOCAB = 1000
EMBED_DIM = 128
BATCH = 16384


def setup_inputs(seed: int = 0) -> dict:
    key = jax.random.key(seed)
    k1, k2, k3, k4, k5, k6 = jax.random.split(key, 6)
    nameA = jax.random.randint(k1, (BATCH,), 0, NAME_VOCAB, dtype=jnp.int64 if jax.config.jax_enable_x64 else jnp.int32)
    classA = jax.random.randint(k2, (BATCH,), 0, CLASS_VOCAB, dtype=jnp.int64 if jax.config.jax_enable_x64 else jnp.int32)
    nameB = jax.random.randint(k3, (BATCH,), 0, NAME_VOCAB, dtype=jnp.int64 if jax.config.jax_enable_x64 else jnp.int32)
    classB = jax.random.randint(k4, (BATCH,), 0, CLASS_VOCAB, dtype=jnp.int64 if jax.config.jax_enable_x64 else jnp.int32)
    W_name = jax.random.normal(k5, (NAME_VOCAB, EMBED_DIM), dtype=jnp.float32)
    W_class = jax.random.normal(k6, (CLASS_VOCAB, EMBED_DIM), dtype=jnp.float32)
    return {"nameA": nameA, "classA": classA, "nameB": nameB, "classB": classB, "W_name": W_name, "W_class": W_class}


def reference(nameA, classA, nameB, classB, W_name, W_class):
    # Faithful translation of the forward pass: four embedding lookups.
    # (Original code returns an undefined `output`; the computed values are
    #  the four embedded tensors, which we return as a tuple.)
    embedded_nameA = jnp.take(W_name, nameA, axis=0)
    embedded_classA = jnp.take(W_class, classA, axis=0)
    embedded_nameB = jnp.take(W_name, nameB, axis=0)
    embedded_classB = jnp.take(W_class, classB, axis=0)
    return (embedded_nameA, embedded_classA, embedded_nameB, embedded_classB)

if __name__ == "__main__":
    import jax
    _d = setup_inputs()
    print(jax.jit(kernel)(*tuple(_d.values())))

</pallas_src>

<mosaic_0001>
#map = affine_map<(d0, d1) -> (0)>
#map1 = affine_map<(d0, d1) -> (0, 0)>
module attributes {stable_mosaic.version = 14 : i64} {
  func.func @four_gathers(%arg0: i32, %arg1: i32, %arg2: memref<16384xi32, #tpu.memory_space<hbm>>, %arg3: memref<16384xi32, #tpu.memory_space<hbm>>, %arg4: memref<16384xi32, #tpu.memory_space<hbm>>, %arg5: memref<16384xi32, #tpu.memory_space<hbm>>, %arg6: memref<100000x128xf32, #tpu.memory_space<hbm>>, %arg7: memref<1000x128xf32, #tpu.memory_space<hbm>>, %arg8: memref<16384x128xf32, #tpu.memory_space<hbm>>, %arg9: memref<16384x128xf32, #tpu.memory_space<hbm>>, %arg10: memref<16384x128xf32, #tpu.memory_space<hbm>>, %arg11: memref<16384x128xf32, #tpu.memory_space<hbm>>, %arg12: memref<512xi32, #tpu.memory_space<vmem>>, %arg13: memref<512xi32, #tpu.memory_space<vmem>>, %arg14: memref<512xi32, #tpu.memory_space<vmem>>, %arg15: memref<512xi32, #tpu.memory_space<vmem>>, %arg16: memref<128x128xf32, #tpu.memory_space<vmem>>, %arg17: memref<128x128xf32, #tpu.memory_space<vmem>>, %arg18: memref<128x128xf32, #tpu.memory_space<vmem>>, %arg19: memref<128x128xf32, #tpu.memory_space<vmem>>, %arg20: memref<1000x128xf32, #tpu.memory_space<vmem_shared>>, %arg21: memref<!tpu.dma_semaphore, #tpu.memory_space<semaphore_mem>>, %arg22: memref<!tpu.dma_semaphore, #tpu.memory_space<semaphore_mem>>, %arg23: memref<!tpu.dma_semaphore, #tpu.memory_space<semaphore_mem>>, %arg24: memref<!tpu.dma_semaphore, #tpu.memory_space<semaphore_mem>>, %arg25: memref<!tpu.dma_semaphore, #tpu.memory_space<semaphore_mem>>, %arg26: memref<!tpu.dma_semaphore, #tpu.memory_space<semaphore_mem>>, %arg27: memref<!tpu.dma_semaphore, #tpu.memory_space<semaphore_mem>>, %arg28: memref<!tpu.dma_semaphore, #tpu.memory_space<semaphore_mem>>, %arg29: memref<!tpu.dma_semaphore, #tpu.memory_space<semaphore_mem>>, %arg30: memref<!tpu.dma_semaphore, #tpu.memory_space<semaphore_mem>>) attributes {dimension_semantics = [#tpu.dimension_semantics<core_parallel>, #tpu.dimension_semantics<subcore_parallel>], iteration_bounds = array<i64: 2, 16>, scalar_prefetch = 0 : i64, scratch_operands = 19 : i64, tpu.core_type = #tpu.core_type<sc_vector_subcore>, window_params = [{transform_indices = #map}, {transform_indices = #map}, {transform_indices = #map}, {transform_indices = #map}, {transform_indices = #map1}, {transform_indices = #map1}, {transform_indices = #map1}, {transform_indices = #map1}, {transform_indices = #map1}, {transform_indices = #map1}]} {
    %mul3A = arith.constant 2 : i32
    %mul3A_0 = arith.muli %arg1, %mul3A : i32
    %add3A = arith.addi %mul3A_0, %arg0 : i32
    %mul3A_1 = arith.constant 512 : i32
    %mul3A_2 = arith.muli %add3A, %mul3A_1 : i32
    %dma_start3A = tpu.memref_slice %arg2[%mul3A_2] : memref<16384xi32, #tpu.memory_space<hbm>> -> memref<512xi32, #tpu.memory_space<hbm>>
    %dma_start3A_3 = tpu.memref_slice %arg2[%mul3A_2] : memref<16384xi32, #tpu.memory_space<hbm>> -> memref<512xi32, #tpu.memory_space<hbm>>
    tpu.enqueue_dma source(%dma_start3A_3 : memref<512xi32, #tpu.memory_space<hbm>>) target(%arg12 : memref<512xi32, #tpu.memory_space<vmem>>) target_semaphore(%arg21 : memref<!tpu.dma_semaphore, #tpu.memory_space<semaphore_mem>>)
    %dma_start3A_4 = tpu.memref_slice %arg3[%mul3A_2] : memref<16384xi32, #tpu.memory_space<hbm>> -> memref<512xi32, #tpu.memory_space<hbm>>
    %dma_start3A_5 = tpu.memref_slice %arg3[%mul3A_2] : memref<16384xi32, #tpu.memory_space<hbm>> -> memref<512xi32, #tpu.memory_space<hbm>>
    tpu.enqueue_dma source(%dma_start3A_5 : memref<512xi32, #tpu.memory_space<hbm>>) target(%arg13 : memref<512xi32, #tpu.memory_space<vmem>>) target_semaphore(%arg21 : memref<!tpu.dma_semaphore, #tpu.memory_space<semaphore_mem>>)
    %dma_start3A_6 = tpu.memref_slice %arg4[%mul3A_2] : memref<16384xi32, #tpu.memory_space<hbm>> -> memref<512xi32, #tpu.memory_space<hbm>>
    %dma_start3A_7 = tpu.memref_slice %arg4[%mul3A_2] : memref<16384xi32, #tpu.memory_space<hbm>> -> memref<512xi32, #tpu.memory_space<hbm>>
    tpu.enqueue_dma source(%dma_start3A_7 : memref<512xi32, #tpu.memory_space<hbm>>) target(%arg14 : memref<512xi32, #tpu.memory_space<vmem>>) target_semaphore(%arg21 : memref<!tpu.dma_semaphore, #tpu.memory_space<semaphore_mem>>)
    %dma_start3A_8 = tpu.memref_slice %arg5[%mul3A_2] : memref<16384xi32, #tpu.memory_space<hbm>> -> memref<512xi32, #tpu.memory_space<hbm>>
    %dma_start3A_9 = tpu.memref_slice %arg5[%mul3A_2] : memref<16384xi32, #tpu.memory_space<hbm>> -> memref<512xi32, #tpu.memory_space<hbm>>
    tpu.enqueue_dma source(%dma_start3A_9 : memref<512xi32, #tpu.memory_space<hbm>>) target(%arg15 : memref<512xi32, #tpu.memory_space<vmem>>) target_semaphore(%arg21 : memref<!tpu.dma_semaphore, #tpu.memory_space<semaphore_mem>>)
    %lt3A = arith.constant 5 : i32
    %lt3A_10 = arith.cmpi slt, %arg1, %lt3A : i32
    %convert_element_type3A = arith.extui %lt3A_10 : i1 to i32
    %cond3A = arith.constant 0 : i32
    %cond3A_11 = arith.cmpi ne, %convert_element_type3A, %cond3A : i32
    scf.if %cond3A_11 {
      %mul3A_339 = arith.constant 200 : i32
      %mul3A_340 = arith.muli %arg1, %mul3A_339 : i32
      %mul3A_341 = arith.constant 200 : i32
      %mul3A_342 = arith.muli %arg1, %mul3A_341 : i32
      %dma_start3A_343 = arith.constant 0 : i32
      %dma_start3A_344 = tpu.memref_slice %arg20[%mul3A_342, %dma_start3A_343] : memref<1000x128xf32, #tpu.memory_space<vmem_shared>> -> memref<200x128xf32, #tpu.memory_space<vmem_shared>>
      %dma_start3A_345 = arith.constant 0 : i32
      %dma_start3A_346 = tpu.memref_slice %arg7[%mul3A_340, %dma_start3A_345] : memref<1000x128xf32, #tpu.memory_space<hbm>> -> memref<200x128xf32, #tpu.memory_space<hbm>>
      tpu.enqueue_dma source(%dma_start3A_346 : memref<200x128xf32, #tpu.memory_space<hbm>>) target(%dma_start3A_344 : memref<200x128xf32, #tpu.memory_space<vmem_shared>>) target_semaphore(%arg22 : memref<!tpu.dma_semaphore, #tpu.memory_space<semaphore_mem>>)
      %dma_wait3A_347 = arith.constant 0 : i32
      %dma_wait3A_348 = tpu.memref_slice %arg20[%mul3A_342, %dma_wait3A_347] : memref<1000x128xf32, #tpu.memory_space<vmem_shared>> -> memref<200x128xf32, #tpu.memory_space<vmem_shared>>
      %dma_wait3A_349 = arith.constant 0 : i32
      %dma_wait3A_350 = tpu.memref_slice %arg7[%mul3A_340, %dma_wait3A_349] : memref<1000x128xf32, #tpu.memory_space<hbm>> -> memref<200x128xf32, #tpu.memory_space<hbm>>
      tpu.wait_dma2 semaphore(%arg22 : memref<!tpu.dma_semaphore, #tpu.memory_space<semaphore_mem>>) src(%dma_wait3A_350 : memref<200x128xf32, #tpu.memory_space<hbm>>) dst(%dma_wait3A_348 : memref<200x128xf32, #tpu.memory_space<vmem_shared>>)
    } else {
    }
    %dma_wait3A = tpu.memref_slice %arg2[%mul3A_2] : memref<16384xi32, #tpu.memory_space<hbm>> -> memref<512xi32, #tpu.memory_space<hbm>>
    %dma_wait3A_12 = tpu.memref_slice %arg2[%mul3A_2] : memref<16384xi32, #tpu.memory_space<hbm>> -> memref<512xi32, #tpu.memory_space<hbm>>
    tpu.wait_dma2 semaphore(%arg21 : memref<!tpu.dma_semaphore, #tpu.memory_space<semaphore_mem>>) src(%dma_wait3A_12 : memref<512xi32, #tpu.memory_space<hbm>>) dst(%arg12 : memref<512xi32, #tpu.memory_space<vmem>>)
    %dma_wait3A_13 = tpu.memref_slice %arg3[%mul3A_2] : memref<16384xi32, #tpu.memory_space<hbm>> -> memref<512xi32, #tpu.memory_space<hbm>>
    %dma_wait3A_14 = tpu.memref_slice %arg3[%mul3A_2] : memref<16384xi32, #tpu.memory_space<hbm>> -> memref<512xi32, #tpu.memory_space<hbm>>
    tpu.wait_dma2 semaphore(%arg21 : memref<!tpu.dma_semaphore, #tpu.memory_space<semaphore_mem>>) src(%dma_wait3A_14 : memref<512xi32, #tpu.memory_space<hbm>>) dst(%arg13 : memref<512xi32, #tpu.memory_space<vmem>>)
    %dma_wait3A_15 = tpu.memref_slice %arg4[%mul3A_2] : memref<16384xi32, #tpu.memory_space<hbm>> -> memref<512xi32, #tpu.memory_space<hbm>>
    %dma_wait3A_16 = tpu.memref_slice %arg4[%mul3A_2] : memref<16384xi32, #tpu.memory_space<hbm>> -> memref<512xi32, #tpu.memory_space<hbm>>
    tpu.wait_dma2 semaphore(%arg21 : memref<!tpu.dma_semaphore, #tpu.memory_space<semaphore_mem>>) src(%dma_wait3A_16 : memref<512xi32, #tpu.memory_space<hbm>>) dst(%arg14 : memref<512xi32, #tpu.memory_space<vmem>>)
    %dma_wait3A_17 = tpu.memref_slice %arg5[%mul3A_2] : memref<16384xi32, #tpu.memory_space<hbm>> -> memref<512xi32, #tpu.memory_space<hbm>>
    %dma_wait3A_18 = tpu.memref_slice %arg5[%mul3A_2] : memref<16384xi32, #tpu.memory_space<hbm>> -> memref<512xi32, #tpu.memory_space<hbm>>
    tpu.wait_dma2 semaphore(%arg21 : memref<!tpu.dma_semaphore, #tpu.memory_space<semaphore_mem>>) src(%dma_wait3A_18 : memref<512xi32, #tpu.memory_space<hbm>>) dst(%arg15 : memref<512xi32, #tpu.memory_space<vmem>>)
    %dma_start3A_19 = arith.constant 0 : i32
    %dma_start3A_20 = tpu.memref_slice %arg12[%dma_start3A_19] : memref<512xi32, #tpu.memory_space<vmem>> -> memref<128xi32, #tpu.memory_space<vmem>>
    %dma_start3A_21 = arith.constant 0 : i32
    %dma_start3A_22 = arith.constant 0 : i32
    %dma_start3A_23 = tpu.memref_slice %arg6[%dma_start3A_21, %dma_start3A_22] : memref<100000x128xf32, #tpu.memory_space<hbm>> -> memref<100000x128xf32, #tpu.memory_space<hbm>>
    tpu.enqueue_indirect_dma source(%dma_start3A_23 : memref<100000x128xf32, #tpu.memory_space<hbm>>) target(%arg16 : memref<128x128xf32, #tpu.memory_space<vmem>>) offsets(%dma_start3A_20 : memref<128xi32, #tpu.memory_space<vmem>>) semaphore(%arg23 : memref<!tpu.dma_semaphore, #tpu.memory_space<semaphore_mem>>)
    %dma_start3A_24 = arith.constant 128 : i32
    %dma_start3A_25 = tpu.memref_slice %arg12[%dma_start3A_24] : memref<512xi32, #tpu.memory_space<vmem>> -> memref<128xi32, #tpu.memory_space<vmem>>
    %dma_start3A_26 = arith.constant 0 : i32
    %dma_start3A_27 = arith.constant 0 : i32
    %dma_start3A_28 = tpu.memref_slice %arg6[%dma_start3A_26, %dma_start3A_27] : memref<100000x128xf32, #tpu.memory_space<hbm>> -> memref<100000x128xf32, #tpu.memory_space<hbm>>
    tpu.enqueue_indirect_dma source(%dma_start3A_28 : memref<100000x128xf32, #tpu.memory_space<hbm>>) target(%arg17 : memref<128x128xf32, #tpu.memory_space<vmem>>) offsets(%dma_start3A_25 : memref<128xi32, #tpu.memory_space<vmem>>) semaphore(%arg24 : memref<!tpu.dma_semaphore, #tpu.memory_space<semaphore_mem>>)
    %dma_wait3A_29 = arith.constant 0 : i32
    %dma_wait3A_30 = tpu.memref_slice %arg12[%dma_wait3A_29] : memref<512xi32, #tpu.memory_space<vmem>> -> memref<128xi32, #tpu.memory_space<vmem>>
    %dma_wait3A_31 = arith.constant 0 : i32
    %dma_wait3A_32 = arith.constant 0 : i32
    %dma_wait3A_33 = tpu.memref_slice %arg6[%dma_wait3A_31, %dma_wait3A_32] : memref<100000x128xf32, #tpu.memory_space<hbm>> -> memref<100000x128xf32, #tpu.memory_space<hbm>>
    tpu.wait_indirect_dma semaphore(%arg23 : memref<!tpu.dma_semaphore, #tpu.memory_space<semaphore_mem>>) src(%dma_wait3A_33 : memref<100000x128xf32, #tpu.memory_space<hbm>>) dst(%arg16 : memref<128x128xf32, #tpu.memory_space<vmem>>)
    %add3A_34 = arith.constant 0 : i32
    %add3A_35 = arith.addi %mul3A_2, %add3A_34 : i32
    %dma_start3A_36 = arith.constant 0 : i32
    %dma_start3A_37 = tpu.memref_slice %arg8[%add3A_35, %dma_start3A_36] : memref<16384x128xf32, #tpu.memory_space<hbm>> -> memref<128x128xf32, #tpu.memory_space<hbm>>
    %dma_start3A_38 = arith.constant 0 : i32
    %dma_start3A_39 = tpu.memref_slice %arg8[%add3A_35, %dma_start3A_38] : memref<16384x128xf32, #tpu.memory_space<hbm>> -> memref<128x128xf32, #tpu.memory_space<hbm>>
    tpu.enqueue_dma source(%arg16 : memref<128x128xf32, #tpu.memory_space<vmem>>) target(%dma_start3A_39 : memref<128x128xf32, #tpu.memory_space<hbm>>) target_semaphore(%arg27 : memref<!tpu.dma_semaphore, #tpu.memory_space<semaphore_mem>>)
    %dma_start3A_40 = arith.constant 256 : i32
    %dma_start3A_41 = tpu.memref_slice %arg12[%dma_start3A_40] : memref<512xi32, #tpu.memory_space<vmem>> -> memref<128xi32, #tpu.memory_space<vmem>>
    %dma_start3A_42 = arith.constant 0 : i32
    %dma_start3A_43 = arith.constant 0 : i32
    %dma_start3A_44 = tpu.memref_slice %arg6[%dma_start3A_42, %dma_start3A_43] : memref<100000x128xf32, #tpu.memory_space<hbm>> -> memref<100000x128xf32, #tpu.memory_space<hbm>>
    tpu.enqueue_indirect_dma source(%dma_start3A_44 : memref<100000x128xf32, #tpu.memory_space<hbm>>) target(%arg18 : memref<128x128xf32, #tpu.memory_space<vmem>>) offsets(%dma_start3A_41 : memref<128xi32, #tpu.memory_space<vmem>>) semaphore(%arg25 : memref<!tpu.dma_semaphore, #tpu.memory_space<semaphore_mem>>)
    %dma_wait3A_45 = arith.constant 128 : i32
    %dma_wait3A_46 = tpu.memref_slice %arg12[%dma_wait3A_45] : memref<512xi32, #tpu.memory_space<vmem>> -> memref<128xi32, #tpu.memory_space<vmem>>
    %dma_wait3A_47 = arith.constant 0 : i32
    %dma_wait3A_48 = arith.constant 0 : i32
    %dma_wait3A_49 = tpu.memref_slice %arg6[%dma_wait3A_47, %dma_wait3A_48] : memref<100000x128xf32, #tpu.memory_space<hbm>> -> memref<100000x128xf32, #tpu.memory_space<hbm>>
    tpu.wait_indirect_dma semaphore(%arg24 : memref<!tpu.dma_semaphore, #tpu.memory_space<semaphore_mem>>) src(%dma_wait3A_49 : memref<100000x128xf32, #tpu.memory_space<hbm>>) dst(%arg17 : memref<128x128xf32, #tpu.memory_space<vmem>>)
    %add3A_50 = arith.constant 128 : i32
    %add3A_51 = arith.addi %mul3A_2, %add3A_50 : i32
    %dma_start3A_52 = arith.constant 0 : i32
    %dma_start3A_53 = tpu.memref_slice %arg8[%add3A_51, %dma_start3A_52] : memref<16384x128xf32, #tpu.memory_space<hbm>> -> memref<128x128xf32, #tpu.memory_space<hbm>>
    %dma_start3A_54 = arith.constant 0 : i32
    %dma_start3A_55 = tpu.memref_slice %arg8[%add3A_51, %dma_start3A_54] : memref<16384x128xf32, #tpu.memory_space<hbm>> -> memref<128x128xf32, #tpu.memory_space<hbm>>
    tpu.enqueue_dma source(%arg17 : memref<128x128xf32, #tpu.memory_space<vmem>>) target(%dma_start3A_55 : memref<128x128xf32, #tpu.memory_space<hbm>>) target_semaphore(%arg28 : memref<!tpu.dma_semaphore, #tpu.memory_space<semaphore_mem>>)
    %dma_start3A_56 = arith.constant 384 : i32
    %dma_start3A_57 = tpu.memref_slice %arg12[%dma_start3A_56] : memref<512xi32, #tpu.memory_space<vmem>> -> memref<128xi32, #tpu.memory_space<vmem>>
    %dma_start3A_58 = arith.constant 0 : i32
    %dma_start3A_59 = arith.constant 0 : i32
    %dma_start3A_60 = tpu.memref_slice %arg6[%dma_start3A_58, %dma_start3A_59] : memref<100000x128xf32, #tpu.memory_space<hbm>> -> memref<100000x128xf32, #tpu.memory_space<hbm>>
    tpu.enqueue_indirect_dma source(%dma_start3A_60 : memref<100000x128xf32, #tpu.memory_space<hbm>>) target(%arg19 : memref<128x128xf32, #tpu.memory_space<vmem>>) offsets(%dma_start3A_57 : memref<128xi32, #tpu.memory_space<vmem>>) semaphore(%arg26 : memref<!tpu.dma_semaphore, #tpu.memory_space<semaphore_mem>>)
    %dma_wait3A_61 = arith.constant 256 : i32
    %dma_wait3A_62 = tpu.memref_slice %arg12[%dma_wait3A_61] : memref<512xi32, #tpu.memory_space<vmem>> -> memref<128xi32, #tpu.memory_space<vmem>>
    %dma_wait3A_63 = arith.constant 0 : i32
    %dma_wait3A_64 = arith.constant 0 : i32
    %dma_wait3A_65 = tpu.memref_slice %arg6[%dma_wait3A_63, %dma_wait3A_64] : memref<100000x128xf32, #tpu.memory_space<hbm>> -> memref<100000x128xf32, #tpu.memory_space<hbm>>
    tpu.wait_indirect_dma semaphore(%arg25 : memref<!tpu.dma_semaphore, #tpu.memory_space<semaphore_mem>>) src(%dma_wait3A_65 : memref<100000x128xf32, #tpu.memory_space<hbm>>) dst(%arg18 : memref<128x128xf32, #tpu.memory_space<vmem>>)
    %add3A_66 = arith.constant 256 : i32
    %add3A_67 = arith.addi %mul3A_2, %add3A_66 : i32
    %dma_start3A_68 = arith.constant 0 : i32
    %dma_start3A_69 = tpu.memref_slice %arg8[%add3A_67, %dma_start3A_68] : memref<16384x128xf32, #tpu.memory_space<hbm>> -> memref<128x128xf32, #tpu.memory_space<hbm>>
    %dma_start3A_70 = arith.constant 0 : i32
    %dma_start3A_71 = tpu.memref_slice %arg8[%add3A_67, %dma_start3A_70] : memref<16384x128xf32, #tpu.memory_space<hbm>> -> memref<128x128xf32, #tpu.memory_space<hbm>>
    tpu.enqueue_dma source(%arg18 : memref<128x128xf32, #tpu.memory_space<vmem>>) target(%dma_start3A_71 : memref<128x128xf32, #tpu.memory_space<hbm>>) target_semaphore(%arg29 : memref<!tpu.dma_semaphore, #tpu.memory_space<semaphore_mem>>)
    %dma_wait3A_72 = arith.constant 0 : i32
    %dma_wait3A_73 = tpu.memref_slice %arg8[%add3A_35, %dma_wait3A_72] : memref<16384x128xf32, #tpu.memory_space<hbm>> -> memref<128x128xf32, #tpu.memory_space<hbm>>
    %dma_wait3A_74 = arith.constant 0 : i32
    %dma_wait3A_75 = tpu.memref_slice %arg8[%add3A_35, %dma_wait3A_74] : memref<16384x128xf32, #tpu.memory_space<hbm>> -> memref<128x128xf32, #tpu.memory_space<hbm>>
    tpu.wait_dma2 semaphore(%arg27 : memref<!tpu.dma_semaphore, #tpu.memory_space<semaphore_mem>>) src(%arg16 : memref<128x128xf32, #tpu.memory_space<vmem>>) dst(%dma_wait3A_75 : memref<128x128xf32, #tpu.memory_space<hbm>>)
    %dma_start3A_76 = arith.constant 0 : i32
    %dma_start3A_77 = tpu.memref_slice %arg14[%dma_start3A_76] : memref<512xi32, #tpu.memory_space<vmem>> -> memref<128xi32, #tpu.memory_space<vmem>>
    %dma_start3A_78 = arith.constant 0 : i32
    %dma_start3A_79 = arith.constant 0 : i32
    %dma_start3A_80 = tpu.memref_slice %arg6[%dma_start3A_78, %dma_start3A_79] : memref<100000x128xf32, #tpu.memory_space<hbm>> -> memref<100000x128xf32, #tpu.memory_space<hbm>>
    tpu.enqueue_indirect_dma source(%dma_start3A_80 : memref<100000x128xf32, #tpu.memory_space<hbm>>) target(%arg16 : memref<128x128xf32, #tpu.memory_space<vmem>>) offsets(%dma_start3A_77 : memref<128xi32, #tpu.memory_space<vmem>>) semaphore(%arg23 : memref<!tpu.dma_semaphore, #tpu.memory_space<semaphore_mem>>)
    %dma_wait3A_81 = arith.constant 384 : i32
    %dma_wait3A_82 = tpu.memref_slice %arg12[%dma_wait3A_81] : memref<512xi32, #tpu.memory_space<vmem>> -> memref<128xi32, #tpu.memory_space<vmem>>
    %dma_wait3A_83 = arith.constant 0 : i32
    %dma_wait3A_84 = arith.constant 0 : i32
    %dma_wait3A_85 = tpu.memref_slice %arg6[%dma_wait3A_83, %dma_wait3A_84] : memref<100000x128xf32, #tpu.memory_space<hbm>> -> memref<100000x128xf32, #tpu.memory_space<hbm>>
    tpu.wait_indirect_dma semaphore(%arg26 : memref<!tpu.dma_semaphore, #tpu.memory_space<semaphore_mem>>) src(%dma_wait3A_85 : memref<100000x128xf32, #tpu.memory_space<hbm>>) dst(%arg19 : memref<128x128xf32, #tpu.memory_space<vmem>>)
    %add3A_86 = arith.constant 384 : i32
    %add3A_87 = arith.addi %mul3A_2, %add3A_86 : i32
    %dma_start3A_88 = arith.constant 0 : i32
    %dma_start3A_89 = tpu.memref_slice %arg8[%add3A_87, %dma_start3A_88] : memref<16384x128xf32, #tpu.memory_space<hbm>> -> memref<128x128xf32, #tpu.memory_space<hbm>>
    %dma_start3A_90 = arith.constant 0 : i32
    %dma_start3A_91 = tpu.memref_slice %arg8[%add3A_87, %dma_start3A_90] : memref<16384x128xf32, #tpu.memory_space<hbm>> -> memref<128x128xf32, #tpu.memory_space<hbm>>
    tpu.enqueue_dma source(%arg19 : memref<128x128xf32, #tpu.memory_space<vmem>>) target(%dma_start3A_91 : memref<128x128xf32, #tpu.memory_space<hbm>>) target_semaphore(%arg30 : memref<!tpu.dma_semaphore, #tpu.memory_space<semaphore_mem>>)
    %dma_wait3A_92 = arith.constant 0 : i32
    %dma_wait3A_93 = tpu.memref_slice %arg8[%add3A_51, %dma_wait3A_92] : memref<16384x128xf32, #tpu.memory_space<hbm>> -> memref<128x128xf32, #tpu.memory_space<hbm>>
    %dma_wait3A_94 = arith.constant 0 : i32
    %dma_wait3A_95 = tpu.memref_slice %arg8[%add3A_51, %dma_wait3A_94] : memref<16384x128xf32, #tpu.memory_space<hbm>> -> memref<128x128xf32, #tpu.memory_space<hbm>>
    tpu.wait_dma2 semaphore(%arg28 : memref<!tpu.dma_semaphore, #tpu.memory_space<semaphore_mem>>) src(%arg17 : memref<128x128xf32, #tpu.memory_space<vmem>>) dst(%dma_wait3A_95 : memref<128x128xf32, #tpu.memory_space<hbm>>)
    %dma_start3A_96 = arith.constant 128 : i32
    %dma_start3A_97 = tpu.memref_slice %arg14[%dma_start3A_96] : memref<512xi32, #tpu.memory_space<vmem>> -> memref<128xi32, #tpu.memory_space<vmem>>
    %dma_start3A_98 = arith.constant 0 : i32
    %dma_start3A_99 = arith.constant 0 : i32
    %dma_start3A_100 = tpu.memref_slice %arg6[%dma_start3A_98, %dma_start3A_99] : memref<100000x128xf32, #tpu.memory_space<hbm>> -> memref<100000x128xf32, #tpu.memory_space<hbm>>
    tpu.enqueue_indirect_dma source(%dma_start3A_100 : memref<100000x128xf32, #tpu.memory_space<hbm>>) target(%arg17 : memref<128x128xf32, #tpu.memory_space<vmem>>) offsets(%dma_start3A_97 : memref<128xi32, #tpu.memory_space<vmem>>) semaphore(%arg24 : memref<!tpu.dma_semaphore, #tpu.memory_space<semaphore_mem>>)
    %dma_wait3A_101 = arith.constant 0 : i32
    %dma_wait3A_102 = tpu.memref_slice %arg14[%dma_wait3A_101] : memref<512xi32, #tpu.memory_space<vmem>> -> memref<128xi32, #tpu.memory_space<vmem>>
    %dma_wait3A_103 = arith.constant 0 : i32
    %dma_wait3A_104 = arith.constant 0 : i32
    %dma_wait3A_105 = tpu.memref_slice %arg6[%dma_wait3A_103, %dma_wait3A_104] : memref<100000x128xf32, #tpu.memory_space<hbm>> -> memref<100000x128xf32, #tpu.memory_space<hbm>>
    tpu.wait_indirect_dma semaphore(%arg23 : memref<!tpu.dma_semaphore, #tpu.memory_space<semaphore_mem>>) src(%dma_wait3A_105 : memref<100000x128xf32, #tpu.memory_space<hbm>>) dst(%arg16 : memref<128x128xf32, #tpu.memory_space<vmem>>)
    %add3A_106 = arith.constant 0 : i32
    %add3A_107 = arith.addi %mul3A_2, %add3A_106 : i32
    %dma_start3A_108 = arith.constant 0 : i32
    %dma_start3A_109 = tpu.memref_slice %arg10[%add3A_107, %dma_start3A_108] : memref<16384x128xf32, #tpu.memory_space<hbm>> -> memref<128x128xf32, #tpu.memory_space<hbm>>
    %dma_start3A_110 = arith.constant 0 : i32
    %dma_start3A_111 = tpu.memref_slice %arg10[%add3A_107, %dma_start3A_110] : memref<16384x128xf32, #tpu.memory_space<hbm>> -> memref<128x128xf32, #tpu.memory_space<hbm>>
    tpu.enqueue_dma source(%arg16 : memref<128x128xf32, #tpu.memory_space<vmem>>) target(%dma_start3A_111 : memref<128x128xf32, #tpu.memory_space<hbm>>) target_semaphore(%arg27 : memref<!tpu.dma_semaphore, #tpu.memory_space<semaphore_mem>>)
    %dma_wait3A_112 = arith.constant 0 : i32
    %dma_wait3A_113 = tpu.memref_slice %arg8[%add3A_67, %dma_wait3A_112] : memref<16384x128xf32, #tpu.memory_space<hbm>> -> memref<128x128xf32, #tpu.memory_space<hbm>>
    %dma_wait3A_114 = arith.constant 0 : i32
    %dma_wait3A_115 = tpu.memref_slice %arg8[%add3A_67, %dma_wait3A_114] : memref<16384x128xf32, #tpu.memory_space<hbm>> -> memref<128x128xf32, #tpu.memory_space<hbm>>
    tpu.wait_dma2 semaphore(%arg29 : memref<!tpu.dma_semaphore, #tpu.memory_space<semaphore_mem>>) src(%arg18 : memref<128x128xf32, #tpu.memory_space<vmem>>) dst(%dma_wait3A_115 : memref<128x128xf32, #tpu.memory_space<hbm>>)
    %dma_start3A_116 = arith.constant 256 : i32
    %dma_start3A_117 = tpu.memref_slice %arg14[%dma_start3A_116] : memref<512xi32, #tpu.memory_space<vmem>> -> memref<128xi32, #tpu.memory_space<vmem>>
    %dma_start3A_118 = arith.constant 0 : i32
    %dma_start3A_119 = arith.constant 0 : i32
    %dma_start3A_120 = tpu.memref_slice %arg6[%dma_start3A_118, %dma_start3A_119] : memref<100000x128xf32, #tpu.memory_space<hbm>> -> memref<100000x128xf32, #tpu.memory_space<hbm>>
    tpu.enqueue_indirect_dma source(%dma_start3A_120 : memref<100000x128xf32, #tpu.memory_space<hbm>>) target(%arg18 : memref<128x128xf32, #tpu.memory_space<vmem>>) offsets(%dma_start3A_117 : memref<128xi32, #tpu.memory_space<vmem>>) semaphore(%arg25 : memref<!tpu.dma_semaphore, #tpu.memory_space<semaphore_mem>>)
    %dma_wait3A_121 = arith.constant 128 : i32
    %dma_wait3A_122 = tpu.memref_slice %arg14[%dma_wait3A_121] : memref<512xi32, #tpu.memory_space<vmem>> -> memref<128xi32, #tpu.memory_space<vmem>>
    %dma_wait3A_123 = arith.constant 0 : i32
    %dma_wait3A_124 = arith.constant 0 : i32
    %dma_wait3A_125 = tpu.memref_slice %arg6[%dma_wait3A_123, %dma_wait3A_124] : memref<100000x128xf32, #tpu.memory_space<hbm>> -> memref<100000x128xf32, #tpu.memory_space<hbm>>
    tpu.wait_indirect_dma semaphore(%arg24 : memref<!tpu.dma_semaphore, #tpu.memory_space<semaphore_mem>>) src(%dma_wait3A_125 : memref<100000x128xf32, #tpu.memory_space<hbm>>) dst(%arg17 : memref<128x128xf32, #tpu.memory_space<vmem>>)
    %add3A_126 = arith.constant 128 : i32
    %add3A_127 = arith.addi %mul3A_2, %add3A_126 : i32
    %dma_start3A_128 = arith.constant 0 : i32
    %dma_start3A_129 = tpu.memref_slice %arg10[%add3A_127, %dma_start3A_128] : memref<16384x128xf32, #tpu.memory_space<hbm>> -> memref<128x128xf32, #tpu.memory_space<hbm>>
    %dma_start3A_130 = arith.constant 0 : i32
    %dma_start3A_131 = tpu.memref_slice %arg10[%add3A_127, %dma_start3A_130] : memref<16384x128xf32, #tpu.memory_space<hbm>> -> memref<128x128xf32, #tpu.memory_space<hbm>>
    tpu.enqueue_dma source(%arg17 : memref<128x128xf32, #tpu.memory_space<vmem>>) target(%dma_start3A_131 : memref<128x128xf32, #tpu.memory_space<hbm>>) target_semaphore(%arg28 : memref<!tpu.dma_semaphore, #tpu.memory_space<semaphore_mem>>)
    %dma_wait3A_132 = arith.constant 0 : i32
    %dma_wait3A_133 = tpu.memref_slice %arg8[%add3A_87, %dma_wait3A_132] : memref<16384x128xf32, #tpu.memory_space<hbm>> -> memref<128x128xf32, #tpu.memory_space<hbm>>
    %dma_wait3A_134 = arith.constant 0 : i32
    %dma_wait3A_135 = tpu.memref_slice %arg8[%add3A_87, %dma_wait3A_134] : memref<16384x128xf32, #tpu.memory_space<hbm>> -> memref<128x128xf32, #tpu.memory_space<hbm>>
    tpu.wait_dma2 semaphore(%arg30 : memref<!tpu.dma_semaphore, #tpu.memory_space<semaphore_mem>>) src(%arg19 : memref<128x128xf32, #tpu.memory_space<vmem>>) dst(%dma_wait3A_135 : memref<128x128xf32, #tpu.memory_space<hbm>>)
    %dma_start3A_136 = arith.constant 384 : i32
    %dma_start3A_137 = tpu.memref_slice %arg14[%dma_start3A_136] : memref<512xi32, #tpu.memory_space<vmem>> -> memref<128xi32, #tpu.memory_space<vmem>>
    %dma_start3A_138 = arith.constant 0 : i32
    %dma_start3A_139 = arith.constant 0 : i32
    %dma_start3A_140 = tpu.memref_slice %arg6[%dma_start3A_138, %dma_start3A_139] : memref<100000x128xf32, #tpu.memory_space<hbm>> -> memref<100000x128xf32, #tpu.memory_space<hbm>>
    tpu.enqueue_indirect_dma source(%dma_start3A_140 : memref<100000x128xf32, #tpu.memory_space<hbm>>) target(%arg19 : memref<128x128xf32, #tpu.memory_space<vmem>>) offsets(%dma_start3A_137 : memref<128xi32, #tpu.memory_space<vmem>>) semaphore(%arg26 : memref<!tpu.dma_semaphore, #tpu.memory_space<semaphore_mem>>)
    %dma_wait3A_141 = arith.constant 256 : i32
    %dma_wait3A_142 = tpu.memref_slice %arg14[%dma_wait3A_141] : memref<512xi32, #tpu.memory_space<vmem>> -> memref<128xi32, #tpu.memory_space<vmem>>
    %dma_wait3A_143 = arith.constant 0 : i32
    %dma_wait3A_144 = arith.constant 0 : i32
    %dma_wait3A_145 = tpu.memref_slice %arg6[%dma_wait3A_143, %dma_wait3A_144] : memref<100000x128xf32, #tpu.memory_space<hbm>> -> memref<100000x128xf32, #tpu.memory_space<hbm>>
    tpu.wait_indirect_dma semaphore(%arg25 : memref<!tpu.dma_semaphore, #tpu.memory_space<semaphore_mem>>) src(%dma_wait3A_145 : memref<100000x128xf32, #tpu.memory_space<hbm>>) dst(%arg18 : memref<128x128xf32, #tpu.memory_space<vmem>>)
    %add3A_146 = arith.constant 256 : i32
    %add3A_147 = arith.addi %mul3A_2, %add3A_146 : i32
    %dma_start3A_148 = arith.constant 0 : i32
    %dma_start3A_149 = tpu.memref_slice %arg10[%add3A_147, %dma_start3A_148] : memref<16384x128xf32, #tpu.memory_space<hbm>> -> memref<128x128xf32, #tpu.memory_space<hbm>>
    %dma_start3A_150 = arith.constant 0 : i32
    %dma_start3A_151 = tpu.memref_slice %arg10[%add3A_147, %dma_start3A_150] : memref<16384x128xf32, #tpu.memory_space<hbm>> -> memref<128x128xf32, #tpu.memory_space<hbm>>
    tpu.enqueue_dma source(%arg18 : memref<128x128xf32, #tpu.memory_space<vmem>>) target(%dma_start3A_151 : memref<128x128xf32, #tpu.memory_space<hbm>>) target_semaphore(%arg29 : memref<!tpu.dma_semaphore, #tpu.memory_space<semaphore_mem>>)
    %barrier3A = arith.constant 0 : index
    tpu.barrier barrier_id(%barrier3A)
    %dma_wait3A_152 = arith.constant 0 : i32
    %dma_wait3A_153 = tpu.memref_slice %arg10[%add3A_107, %dma_wait3A_152] : memref<16384x128xf32, #tpu.memory_space<hbm>> -> memref<128x128xf32, #tpu.memory_space<hbm>>
    %dma_wait3A_154 = arith.constant 0 : i32
    %dma_wait3A_155 = tpu.memref_slice %arg10[%add3A_107, %dma_wait3A_154] : memref<16384x128xf32, #tpu.memory_space<hbm>> -> memref<128x128xf32, #tpu.memory_space<hbm>>
    tpu.wait_dma2 semaphore(%arg27 : memref<!tpu.dma_semaphore, #tpu.memory_space<semaphore_mem>>) src(%arg16 : memref<128x128xf32, #tpu.memory_space<vmem>>) dst(%dma_wait3A_155 : memref<128x128xf32, #tpu.memory_space<hbm>>)
    %dma_start3A_156 = arith.constant 0 : i32
    %dma_start3A_157 = tpu.memref_slice %arg13[%dma_start3A_156] : memref<512xi32, #tpu.memory_space<vmem>> -> memref<128xi32, #tpu.memory_space<vmem>>
    %dma_start3A_158 = arith.constant 0 : i32
    %dma_start3A_159 = arith.constant 0 : i32
    %dma_start3A_160 = tpu.memref_slice %arg20[%dma_start3A_158, %dma_start3A_159] : memref<1000x128xf32, #tpu.memory_space<vmem_shared>> -> memref<1000x128xf32, #tpu.memory_space<vmem_shared>>
    tpu.enqueue_indirect_dma source(%dma_start3A_160 : memref<1000x128xf32, #tpu.memory_space<vmem_shared>>) target(%arg16 : memref<128x128xf32, #tpu.memory_space<vmem>>) offsets(%dma_start3A_157 : memref<128xi32, #tpu.memory_space<vmem>>) semaphore(%arg23 : memref<!tpu.dma_semaphore, #tpu.memory_space<semaphore_mem>>)
    %dma_wait3A_161 = arith.constant 384 : i32
    %dma_wait3A_162 = tpu.memref_slice %arg14[%dma_wait3A_161] : memref<512xi32, #tpu.memory_space<vmem>> -> memref<128xi32, #tpu.memory_space<vmem>>
    %dma_wait3A_163 = arith.constant 0 : i32
    %dma_wait3A_164 = arith.constant 0 : i32
    %dma_wait3A_165 = tpu.memref_slice %arg6[%dma_wait3A_163, %dma_wait3A_164] : memref<100000x128xf32, #tpu.memory_space<hbm>> -> memref<100000x128xf32, #tpu.memory_space<hbm>>
    tpu.wait_indirect_dma semaphore(%arg26 : memref<!tpu.dma_semaphore, #tpu.memory_space<semaphore_mem>>) src(%dma_wait3A_165 : memref<100000x128xf32, #tpu.memory_space<hbm>>) dst(%arg19 : memref<128x128xf32, #tpu.memory_space<vmem>>)
    %add3A_166 = arith.constant 384 : i32
    %add3A_167 = arith.addi %mul3A_2, %add3A_166 : i32
    %dma_start3A_168 = arith.constant 0 : i32
    %dma_start3A_169 = tpu.memref_slice %arg10[%add3A_167, %dma_start3A_168] : memref<16384x128xf32, #tpu.memory_space<hbm>> -> memref<128x128xf32, #tpu.memory_space<hbm>>
    %dma_start3A_170 = arith.constant 0 : i32
    %dma_start3A_171 = tpu.memref_slice %arg10[%add3A_167, %dma_start3A_170] : memref<16384x128xf32, #tpu.memory_space<hbm>> -> memref<128x128xf32, #tpu.memory_space<hbm>>
    tpu.enqueue_dma source(%arg19 : memref<128x128xf32, #tpu.memory_space<vmem>>) target(%dma_start3A_171 : memref<128x128xf32, #tpu.memory_space<hbm>>) target_semaphore(%arg30 : memref<!tpu.dma_semaphore, #tpu.memory_space<semaphore_mem>>)
    %dma_wait3A_172 = arith.constant 0 : i32
    %dma_wait3A_173 = tpu.memref_slice %arg10[%add3A_127, %dma_wait3A_172] : memref<16384x128xf32, #tpu.memory_space<hbm>> -> memref<128x128xf32, #tpu.memory_space<hbm>>
    %dma_wait3A_174 = arith.constant 0 : i32
    %dma_wait3A_175 = tpu.memref_slice %arg10[%add3A_127, %dma_wait3A_174] : memref<16384x128xf32, #tpu.memory_space<hbm>> -> memref<128x128xf32, #tpu.memory_space<hbm>>
    tpu.wait_dma2 semaphore(%arg28 : memref<!tpu.dma_semaphore, #tpu.memory_space<semaphore_mem>>) src(%arg17 : memref<128x128xf32, #tpu.memory_space<vmem>>) dst(%dma_wait3A_175 : memref<128x128xf32, #tpu.memory_space<hbm>>)
    %dma_start3A_176 = arith.constant 128 : i32
    %dma_start3A_177 = tpu.memref_slice %arg13[%dma_start3A_176] : memref<512xi32, #tpu.memory_space<vmem>> -> memref<128xi32, #tpu.memory_space<vmem>>
    %dma_start3A_178 = arith.constant 0 : i32
    %dma_start3A_179 = arith.constant 0 : i32
    %dma_start3A_180 = tpu.memref_slice %arg20[%dma_start3A_178, %dma_start3A_179] : memref<1000x128xf32, #tpu.memory_space<vmem_shared>> -> memref<1000x128xf32, #tpu.memory_space<vmem_shared>>
    tpu.enqueue_indirect_dma source(%dma_start3A_180 : memref<1000x128xf32, #tpu.memory_space<vmem_shared>>) target(%arg17 : memref<128x128xf32, #tpu.memory_space<vmem>>) offsets(%dma_start3A_177 : memref<128xi32, #tpu.memory_space<vmem>>) semaphore(%arg24 : memref<!tpu.dma_semaphore, #tpu.memory_space<semaphore_mem>>)
    %dma_wait3A_181 = arith.constant 0 : i32
    %dma_wait3A_182 = tpu.memref_slice %arg13[%dma_wait3A_181] : memref<512xi32, #tpu.memory_space<vmem>> -> memref<128xi32, #tpu.memory_space<vmem>>
    %dma_wait3A_183 = arith.constant 0 : i32
    %dma_wait3A_184 = arith.constant 0 : i32
    %dma_wait3A_185 = tpu.memref_slice %arg20[%dma_wait3A_183, %dma_wait3A_184] : memref<1000x128xf32, #tpu.memory_space<vmem_shared>> -> memref<1000x128xf32, #tpu.memory_space<vmem_shared>>
    tpu.wait_indirect_dma semaphore(%arg23 : memref<!tpu.dma_semaphore, #tpu.memory_space<semaphore_mem>>) src(%dma_wait3A_185 : memref<1000x128xf32, #tpu.memory_space<vmem_shared>>) dst(%arg16 : memref<128x128xf32, #tpu.memory_space<vmem>>)
    %add3A_186 = arith.constant 0 : i32
    %add3A_187 = arith.addi %mul3A_2, %add3A_186 : i32
    %dma_start3A_188 = arith.constant 0 : i32
    %dma_start3A_189 = tpu.memref_slice %arg9[%add3A_187, %dma_start3A_188] : memref<16384x128xf32, #tpu.memory_space<hbm>> -> memref<128x128xf32, #tpu.memory_space<hbm>>
    %dma_start3A_190 = arith.constant 0 : i32
    %dma_start3A_191 = tpu.memref_slice %arg9[%add3A_187, %dma_start3A_190] : memref<16384x128xf32, #tpu.memory_space<hbm>> -> memref<128x128xf32, #tpu.memory_space<hbm>>
    tpu.enqueue_dma source(%arg16 : memref<128x128xf32, #tpu.memory_space<vmem>>) target(%dma_start3A_191 : memref<128x128xf32, #tpu.memory_space<hbm>>) target_semaphore(%arg27 : memref<!tpu.dma_semaphore, #tpu.memory_space<semaphore_mem>>)
    %dma_wait3A_192 = arith.constant 0 : i32
    %dma_wait3A_193 = tpu.memref_slice %arg10[%add3A_147, %dma_wait3A_192] : memref<16384x128xf32, #tpu.memory_space<hbm>> -> memref<128x128xf32, #tpu.memory_space<hbm>>
    %dma_wait3A_194 = arith.constant 0 : i32
    %dma_wait3A_195 = tpu.memref_slice %arg10[%add3A_147, %dma_wait3A_194] : memref<16384x128xf32, #tpu.memory_space<hbm>> -> memref<128x128xf32, #tpu.memory_space<hbm>>
    tpu.wait_dma2 semaphore(%arg29 : memref<!tpu.dma_semaphore, #tpu.memory_space<semaphore_mem>>) src(%arg18 : memref<128x128xf32, #tpu.memory_space<vmem>>) dst(%dma_wait3A_195 : memref<128x128xf32, #tpu.memory_space<hbm>>)
    %dma_start3A_196 = arith.constant 256 : i32
    %dma_start3A_197 = tpu.memref_slice %arg13[%dma_start3A_196] : memref<512xi32, #tpu.memory_space<vmem>> -> memref<128xi32, #tpu.memory_space<vmem>>
    %dma_start3A_198 = arith.constant 0 : i32
    %dma_start3A_199 = arith.constant 0 : i32
    %dma_start3A_200 = tpu.memref_slice %arg20[%dma_start3A_198, %dma_start3A_199] : memref<1000x128xf32, #tpu.memory_space<vmem_shared>> -> memref<1000x128xf32, #tpu.memory_space<vmem_shared>>
    tpu.enqueue_indirect_dma source(%dma_start3A_200 : memref<1000x128xf32, #tpu.memory_space<vmem_shared>>) target(%arg18 : memref<128x128xf32, #tpu.memory_space<vmem>>) offsets(%dma_start3A_197 : memref<128xi32, #tpu.memory_space<vmem>>) semaphore(%arg25 : memref<!tpu.dma_semaphore, #tpu.memory_space<semaphore_mem>>)
    %dma_wait3A_201 = arith.constant 128 : i32
    %dma_wait3A_202 = tpu.memref_slice %arg13[%dma_wait3A_201] : memref<512xi32, #tpu.memory_space<vmem>> -> memref<128xi32, #tpu.memory_space<vmem>>
    %dma_wait3A_203 = arith.constant 0 : i32
    %dma_wait3A_204 = arith.constant 0 : i32
    %dma_wait3A_205 = tpu.memref_slice %arg20[%dma_wait3A_203, %dma_wait3A_204] : memref<1000x128xf32, #tpu.memory_space<vmem_shared>> -> memref<1000x128xf32, #tpu.memory_space<vmem_shared>>
    tpu.wait_indirect_dma semaphore(%arg24 : memref<!tpu.dma_semaphore, #tpu.memory_space<semaphore_mem>>) src(%dma_wait3A_205 : memref<1000x128xf32, #tpu.memory_space<vmem_shared>>) dst(%arg17 : memref<128x128xf32, #tpu.memory_space<vmem>>)
    %add3A_206 = arith.constant 128 : i32
    %add3A_207 = arith.addi %mul3A_2, %add3A_206 : i32
    %dma_start3A_208 = arith.constant 0 : i32
    %dma_start3A_209 = tpu.memref_slice %arg9[%add3A_207, %dma_start3A_208] : memref<16384x128xf32, #tpu.memory_space<hbm>> -> memref<128x128xf32, #tpu.memory_space<hbm>>
    %dma_start3A_210 = arith.constant 0 : i32
    %dma_start3A_211 = tpu.memref_slice %arg9[%add3A_207, %dma_start3A_210] : memref<16384x128xf32, #tpu.memory_space<hbm>> -> memref<128x128xf32, #tpu.memory_space<hbm>>
    tpu.enqueue_dma source(%arg17 : memref<128x128xf32, #tpu.memory_space<vmem>>) target(%dma_start3A_211 : memref<128x128xf32, #tpu.memory_space<hbm>>) target_semaphore(%arg28 : memref<!tpu.dma_semaphore, #tpu.memory_space<semaphore_mem>>)
    %dma_wait3A_212 = arith.constant 0 : i32
    %dma_wait3A_213 = tpu.memref_slice %arg10[%add3A_167, %dma_wait3A_212] : memref<16384x128xf32, #tpu.memory_space<hbm>> -> memref<128x128xf32, #tpu.memory_space<hbm>>
    %dma_wait3A_214 = arith.constant 0 : i32
    %dma_wait3A_215 = tpu.memref_slice %arg10[%add3A_167, %dma_wait3A_214] : memref<16384x128xf32, #tpu.memory_space<hbm>> -> memref<128x128xf32, #tpu.memory_space<hbm>>
    tpu.wait_dma2 semaphore(%arg30 : memref<!tpu.dma_semaphore, #tpu.memory_space<semaphore_mem>>) src(%arg19 : memref<128x128xf32, #tpu.memory_space<vmem>>) dst(%dma_wait3A_215 : memref<128x128xf32, #tpu.memory_space<hbm>>)
    %dma_start3A_216 = arith.constant 384 : i32
    %dma_start3A_217 = tpu.memref_slice %arg13[%dma_start3A_216] : memref<512xi32, #tpu.memory_space<vmem>> -> memref<128xi32, #tpu.memory_space<vmem>>
    %dma_start3A_218 = arith.constant 0 : i32
    %dma_start3A_219 = arith.constant 0 : i32
    %dma_start3A_220 = tpu.memref_slice %arg20[%dma_start3A_218, %dma_start3A_219] : memref<1000x128xf32, #tpu.memory_space<vmem_shared>> -> memref<1000x128xf32, #tpu.memory_space<vmem_shared>>
    tpu.enqueue_indirect_dma source(%dma_start3A_220 : memref<1000x128xf32, #tpu.memory_space<vmem_shared>>) target(%arg19 : memref<128x128xf32, #tpu.memory_space<vmem>>) offsets(%dma_start3A_217 : memref<128xi32, #tpu.memory_space<vmem>>) semaphore(%arg26 : memref<!tpu.dma_semaphore, #tpu.memory_space<semaphore_mem>>)
    %dma_wait3A_221 = arith.constant 256 : i32
    %dma_wait3A_222 = tpu.memref_slice %arg13[%dma_wait3A_221] : memref<512xi32, #tpu.memory_space<vmem>> -> memref<128xi32, #tpu.memory_space<vmem>>
    %dma_wait3A_223 = arith.constant 0 : i32
    %dma_wait3A_224 = arith.constant 0 : i32
    %dma_wait3A_225 = tpu.memref_slice %arg20[%dma_wait3A_223, %dma_wait3A_224] : memref<1000x128xf32, #tpu.memory_space<vmem_shared>> -> memref<1000x128xf32, #tpu.memory_space<vmem_shared>>
    tpu.wait_indirect_dma semaphore(%arg25 : memref<!tpu.dma_semaphore, #tpu.memory_space<semaphore_mem>>) src(%dma_wait3A_225 : memref<1000x128xf32, #tpu.memory_space<vmem_shared>>) dst(%arg18 : memref<128x128xf32, #tpu.memory_space<vmem>>)
    %add3A_226 = arith.constant 256 : i32
    %add3A_227 = arith.addi %mul3A_2, %add3A_226 : i32
    %dma_start3A_228 = arith.constant 0 : i32
    %dma_start3A_229 = tpu.memref_slice %arg9[%add3A_227, %dma_start3A_228] : memref<16384x128xf32, #tpu.memory_space<hbm>> -> memref<128x128xf32, #tpu.memory_space<hbm>>
    %dma_start3A_230 = arith.constant 0 : i32
    %dma_start3A_231 = tpu.memref_slice %arg9[%add3A_227, %dma_start3A_230] : memref<16384x128xf32, #tpu.memory_space<hbm>> -> memref<128x128xf32, #tpu.memory_space<hbm>>
    tpu.enqueue_dma source(%arg18 : memref<128x128xf32, #tpu.memory_space<vmem>>) target(%dma_start3A_231 : memref<128x128xf32, #tpu.memory_space<hbm>>) target_semaphore(%arg29 : memref<!tpu.dma_semaphore, #tpu.memory_space<semaphore_mem>>)
    %dma_wait3A_232 = arith.constant 0 : i32
    %dma_wait3A_233 = tpu.memref_slice %arg9[%add3A_187, %dma_wait3A_232] : memref<16384x128xf32, #tpu.memory_space<hbm>> -> memref<128x128xf32, #tpu.memory_space<hbm>>
    %dma_wait3A_234 = arith.constant 0 : i32
    %dma_wait3A_235 = tpu.memref_slice %arg9[%add3A_187, %dma_wait3A_234] : memref<16384x128xf32, #tpu.memory_space<hbm>> -> memref<128x128xf32, #tpu.memory_space<hbm>>
    tpu.wait_dma2 semaphore(%arg27 : memref<!tpu.dma_semaphore, #tpu.memory_space<semaphore_mem>>) src(%arg16 : memref<128x128xf32, #tpu.memory_space<vmem>>) dst(%dma_wait3A_235 : memref<128x128xf32, #tpu.memory_space<hbm>>)
    %dma_start3A_236 = arith.constant 0 : i32
    %dma_start3A_237 = tpu.memref_slice %arg15[%dma_start3A_236] : memref<512xi32, #tpu.memory_space<vmem>> -> memref<128xi32, #tpu.memory_space<vmem>>
    %dma_start3A_238 = arith.constant 0 : i32
    %dma_start3A_239 = arith.constant 0 : i32
    %dma_start3A_240 = tpu.memref_slice %arg20[%dma_start3A_238, %dma_start3A_239] : memref<1000x128xf32, #tpu.memory_space<vmem_shared>> -> memref<1000x128xf32, #tpu.memory_space<vmem_shared>>
    tpu.enqueue_indirect_dma source(%dma_start3A_240 : memref<1000x128xf32, #tpu.memory_space<vmem_shared>>) target(%arg16 : memref<128x128xf32, #tpu.memory_space<vmem>>) offsets(%dma_start3A_237 : memref<128xi32, #tpu.memory_space<vmem>>) semaphore(%arg23 : memref<!tpu.dma_semaphore, #tpu.memory_space<semaphore_mem>>)
    %dma_wait3A_241 = arith.constant 384 : i32
    %dma_wait3A_242 = tpu.memref_slice %arg13[%dma_wait3A_241] : memref<512xi32, #tpu.memory_space<vmem>> -> memref<128xi32, #tpu.memory_space<vmem>>
    %dma_wait3A_243 = arith.constant 0 : i32
    %dma_wait3A_244 = arith.constant 0 : i32
    %dma_wait3A_245 = tpu.memref_slice %arg20[%dma_wait3A_243, %dma_wait3A_244] : memref<1000x128xf32, #tpu.memory_space<vmem_shared>> -> memref<1000x128xf32, #tpu.memory_space<vmem_shared>>
    tpu.wait_indirect_dma semaphore(%arg26 : memref<!tpu.dma_semaphore, #tpu.memory_space<semaphore_mem>>) src(%dma_wait3A_245 : memref<1000x128xf32, #tpu.memory_space<vmem_shared>>) dst(%arg19 : memref<128x128xf32, #tpu.memory_space<vmem>>)
    %add3A_246 = arith.constant 384 : i32
    %add3A_247 = arith.addi %mul3A_2, %add3A_246 : i32
    %dma_start3A_248 = arith.constant 0 : i32
    %dma_start3A_249 = tpu.memref_slice %arg9[%add3A_247, %dma_start3A_248] : memref<16384x128xf32, #tpu.memory_space<hbm>> -> memref<128x128xf32, #tpu.memory_space<hbm>>
    %dma_start3A_250 = arith.constant 0 : i32
    %dma_start3A_251 = tpu.memref_slice %arg9[%add3A_247, %dma_start3A_250] : memref<16384x128xf32, #tpu.memory_space<hbm>> -> memref<128x128xf32, #tpu.memory_space<hbm>>
    tpu.enqueue_dma source(%arg19 : memref<128x128xf32, #tpu.memory_space<vmem>>) target(%dma_start3A_251 : memref<128x128xf32, #tpu.memory_space<hbm>>) target_semaphore(%arg30 : memref<!tpu.dma_semaphore, #tpu.memory_space<semaphore_mem>>)
    %dma_wait3A_252 = arith.constant 0 : i32
    %dma_wait3A_253 = tpu.memref_slice %arg9[%add3A_207, %dma_wait3A_252] : memref<16384x128xf32, #tpu.memory_space<hbm>> -> memref<128x128xf32, #tpu.memory_space<hbm>>
    %dma_wait3A_254 = arith.constant 0 : i32
    %dma_wait3A_255 = tpu.memref_slice %arg9[%add3A_207, %dma_wait3A_254] : memref<16384x128xf32, #tpu.memory_space<hbm>> -> memref<128x128xf32, #tpu.memory_space<hbm>>
    tpu.wait_dma2 semaphore(%arg28 : memref<!tpu.dma_semaphore, #tpu.memory_space<semaphore_mem>>) src(%arg17 : memref<128x128xf32, #tpu.memory_space<vmem>>) dst(%dma_wait3A_255 : memref<128x128xf32, #tpu.memory_space<hbm>>)
    %dma_start3A_256 = arith.constant 128 : i32
    %dma_start3A_257 = tpu.memref_slice %arg15[%dma_start3A_256] : memref<512xi32, #tpu.memory_space<vmem>> -> memref<128xi32, #tpu.memory_space<vmem>>
    %dma_start3A_258 = arith.constant 0 : i32
    %dma_start3A_259 = arith.constant 0 : i32
    %dma_start3A_260 = tpu.memref_slice %arg20[%dma_start3A_258, %dma_start3A_259] : memref<1000x128xf32, #tpu.memory_space<vmem_shared>> -> memref<1000x128xf32, #tpu.memory_space<vmem_shared>>
    tpu.enqueue_indirect_dma source(%dma_start3A_260 : memref<1000x128xf32, #tpu.memory_space<vmem_shared>>) target(%arg17 : memref<128x128xf32, #tpu.memory_space<vmem>>) offsets(%dma_start3A_257 : memref<128xi32, #tpu.memory_space<vmem>>) semaphore(%arg24 : memref<!tpu.dma_semaphore, #tpu.memory_space<semaphore_mem>>)
    %dma_wait3A_261 = arith.constant 0 : i32
    %dma_wait3A_262 = tpu.memref_slice %arg15[%dma_wait3A_261] : memref<512xi32, #tpu.memory_space<vmem>> -> memref<128xi32, #tpu.memory_space<vmem>>
    %dma_wait3A_263 = arith.constant 0 : i32
    %dma_wait3A_264 = arith.constant 0 : i32
    %dma_wait3A_265 = tpu.memref_slice %arg20[%dma_wait3A_263, %dma_wait3A_264] : memref<1000x128xf32, #tpu.memory_space<vmem_shared>> -> memref<1000x128xf32, #tpu.memory_space<vmem_shared>>
    tpu.wait_indirect_dma semaphore(%arg23 : memref<!tpu.dma_semaphore, #tpu.memory_space<semaphore_mem>>) src(%dma_wait3A_265 : memref<1000x128xf32, #tpu.memory_space<vmem_shared>>) dst(%arg16 : memref<128x128xf32, #tpu.memory_space<vmem>>)
    %add3A_266 = arith.constant 0 : i32
    %add3A_267 = arith.addi %mul3A_2, %add3A_266 : i32
    %dma_start3A_268 = arith.constant 0 : i32
    %dma_start3A_269 = tpu.memref_slice %arg11[%add3A_267, %dma_start3A_268] : memref<16384x128xf32, #tpu.memory_space<hbm>> -> memref<128x128xf32, #tpu.memory_space<hbm>>
    %dma_start3A_270 = arith.constant 0 : i32
    %dma_start3A_271 = tpu.memref_slice %arg11[%add3A_267, %dma_start3A_270] : memref<16384x128xf32, #tpu.memory_space<hbm>> -> memref<128x128xf32, #tpu.memory_space<hbm>>
    tpu.enqueue_dma source(%arg16 : memref<128x128xf32, #tpu.memory_space<vmem>>) target(%dma_start3A_271 : memref<128x128xf32, #tpu.memory_space<hbm>>) target_semaphore(%arg27 : memref<!tpu.dma_semaphore, #tpu.memory_space<semaphore_mem>>)
    %dma_wait3A_272 = arith.constant 0 : i32
    %dma_wait3A_273 = tpu.memref_slice %arg9[%add3A_227, %dma_wait3A_272] : memref<16384x128xf32, #tpu.memory_space<hbm>> -> memref<128x128xf32, #tpu.memory_space<hbm>>
    %dma_wait3A_274 = arith.constant 0 : i32
    %dma_wait3A_275 = tpu.memref_slice %arg9[%add3A_227, %dma_wait3A_274] : memref<16384x128xf32, #tpu.memory_space<hbm>> -> memref<128x128xf32, #tpu.memory_space<hbm>>
    tpu.wait_dma2 semaphore(%arg29 : memref<!tpu.dma_semaphore, #tpu.memory_space<semaphore_mem>>) src(%arg18 : memref<128x128xf32, #tpu.memory_space<vmem>>) dst(%dma_wait3A_275 : memref<128x128xf32, #tpu.memory_space<hbm>>)
    %dma_start3A_276 = arith.constant 256 : i32
    %dma_start3A_277 = tpu.memref_slice %arg15[%dma_start3A_276] : memref<512xi32, #tpu.memory_space<vmem>> -> memref<128xi32, #tpu.memory_space<vmem>>
    %dma_start3A_278 = arith.constant 0 : i32
    %dma_start3A_279 = arith.constant 0 : i32
    %dma_start3A_280 = tpu.memref_slice %arg20[%dma_start3A_278, %dma_start3A_279] : memref<1000x128xf32, #tpu.memory_space<vmem_shared>> -> memref<1000x128xf32, #tpu.memory_space<vmem_shared>>
    tpu.enqueue_indirect_dma source(%dma_start3A_280 : memref<1000x128xf32, #tpu.memory_space<vmem_shared>>) target(%arg18 : memref<128x128xf32, #tpu.memory_space<vmem>>) offsets(%dma_start3A_277 : memref<128xi32, #tpu.memory_space<vmem>>) semaphore(%arg25 : memref<!tpu.dma_semaphore, #tpu.memory_space<semaphore_mem>>)
    %dma_wait3A_281 = arith.constant 128 : i32
    %dma_wait3A_282 = tpu.memref_slice %arg15[%dma_wait3A_281] : memref<512xi32, #tpu.memory_space<vmem>> -> memref<128xi32, #tpu.memory_space<vmem>>
    %dma_wait3A_283 = arith.constant 0 : i32
    %dma_wait3A_284 = arith.constant 0 : i32
    %dma_wait3A_285 = tpu.memref_slice %arg20[%dma_wait3A_283, %dma_wait3A_284] : memref<1000x128xf32, #tpu.memory_space<vmem_shared>> -> memref<1000x128xf32, #tpu.memory_space<vmem_shared>>
    tpu.wait_indirect_dma semaphore(%arg24 : memref<!tpu.dma_semaphore, #tpu.memory_space<semaphore_mem>>) src(%dma_wait3A_285 : memref<1000x128xf32, #tpu.memory_space<vmem_shared>>) dst(%arg17 : memref<128x128xf32, #tpu.memory_space<vmem>>)
    %add3A_286 = arith.constant 128 : i32
    %add3A_287 = arith.addi %mul3A_2, %add3A_286 : i32
    %dma_start3A_288 = arith.constant 0 : i32
    %dma_start3A_289 = tpu.memref_slice %arg11[%add3A_287, %dma_start3A_288] : memref<16384x128xf32, #tpu.memory_space<hbm>> -> memref<128x128xf32, #tpu.memory_space<hbm>>
    %dma_start3A_290 = arith.constant 0 : i32
    %dma_start3A_291 = tpu.memref_slice %arg11[%add3A_287, %dma_start3A_290] : memref<16384x128xf32, #tpu.memory_space<hbm>> -> memref<128x128xf32, #tpu.memory_space<hbm>>
    tpu.enqueue_dma source(%arg17 : memref<128x128xf32, #tpu.memory_space<vmem>>) target(%dma_start3A_291 : memref<128x128xf32, #tpu.memory_space<hbm>>) target_semaphore(%arg28 : memref<!tpu.dma_semaphore, #tpu.memory_space<semaphore_mem>>)
    %dma_wait3A_292 = arith.constant 0 : i32
    %dma_wait3A_293 = tpu.memref_slice %arg9[%add3A_247, %dma_wait3A_292] : memref<16384x128xf32, #tpu.memory_space<hbm>> -> memref<128x128xf32, #tpu.memory_space<hbm>>
    %dma_wait3A_294 = arith.constant 0 : i32
    %dma_wait3A_295 = tpu.memref_slice %arg9[%add3A_247, %dma_wait3A_294] : memref<16384x128xf32, #tpu.memory_space<hbm>> -> memref<128x128xf32, #tpu.memory_space<hbm>>
    tpu.wait_dma2 semaphore(%arg30 : memref<!tpu.dma_semaphore, #tpu.memory_space<semaphore_mem>>) src(%arg19 : memref<128x128xf32, #tpu.memory_space<vmem>>) dst(%dma_wait3A_295 : memref<128x128xf32, #tpu.memory_space<hbm>>)
    %dma_start3A_296 = arith.constant 384 : i32
    %dma_start3A_297 = tpu.memref_slice %arg15[%dma_start3A_296] : memref<512xi32, #tpu.memory_space<vmem>> -> memref<128xi32, #tpu.memory_space<vmem>>
    %dma_start3A_298 = arith.constant 0 : i32
    %dma_start3A_299 = arith.constant 0 : i32
    %dma_start3A_300 = tpu.memref_slice %arg20[%dma_start3A_298, %dma_start3A_299] : memref<1000x128xf32, #tpu.memory_space<vmem_shared>> -> memref<1000x128xf32, #tpu.memory_space<vmem_shared>>
    tpu.enqueue_indirect_dma source(%dma_start3A_300 : memref<1000x128xf32, #tpu.memory_space<vmem_shared>>) target(%arg19 : memref<128x128xf32, #tpu.memory_space<vmem>>) offsets(%dma_start3A_297 : memref<128xi32, #tpu.memory_space<vmem>>) semaphore(%arg26 : memref<!tpu.dma_semaphore, #tpu.memory_space<semaphore_mem>>)
    %dma_wait3A_301 = arith.constant 256 : i32
    %dma_wait3A_302 = tpu.memref_slice %arg15[%dma_wait3A_301] : memref<512xi32, #tpu.memory_space<vmem>> -> memref<128xi32, #tpu.memory_space<vmem>>
    %dma_wait3A_303 = arith.constant 0 : i32
    %dma_wait3A_304 = arith.constant 0 : i32
    %dma_wait3A_305 = tpu.memref_slice %arg20[%dma_wait3A_303, %dma_wait3A_304] : memref<1000x128xf32, #tpu.memory_space<vmem_shared>> -> memref<1000x128xf32, #tpu.memory_space<vmem_shared>>
    tpu.wait_indirect_dma semaphore(%arg25 : memref<!tpu.dma_semaphore, #tpu.memory_space<semaphore_mem>>) src(%dma_wait3A_305 : memref<1000x128xf32, #tpu.memory_space<vmem_shared>>) dst(%arg18 : memref<128x128xf32, #tpu.memory_space<vmem>>)
    %add3A_306 = arith.constant 256 : i32
    %add3A_307 = arith.addi %mul3A_2, %add3A_306 : i32
    %dma_start3A_308 = arith.constant 0 : i32
    %dma_start3A_309 = tpu.memref_slice %arg11[%add3A_307, %dma_start3A_308] : memref<16384x128xf32, #tpu.memory_space<hbm>> -> memref<128x128xf32, #tpu.memory_space<hbm>>
    %dma_start3A_310 = arith.constant 0 : i32
    %dma_start3A_311 = tpu.memref_slice %arg11[%add3A_307, %dma_start3A_310] : memref<16384x128xf32, #tpu.memory_space<hbm>> -> memref<128x128xf32, #tpu.memory_space<hbm>>
    tpu.enqueue_dma source(%arg18 : memref<128x128xf32, #tpu.memory_space<vmem>>) target(%dma_start3A_311 : memref<128x128xf32, #tpu.memory_space<hbm>>) target_semaphore(%arg29 : memref<!tpu.dma_semaphore, #tpu.memory_space<semaphore_mem>>)
    %dma_wait3A_312 = arith.constant 384 : i32
    %dma_wait3A_313 = tpu.memref_slice %arg15[%dma_wait3A_312] : memref<512xi32, #tpu.memory_space<vmem>> -> memref<128xi32, #tpu.memory_space<vmem>>
    %dma_wait3A_314 = arith.constant 0 : i32
    %dma_wait3A_315 = arith.constant 0 : i32
    %dma_wait3A_316 = tpu.memref_slice %arg20[%dma_wait3A_314, %dma_wait3A_315] : memref<1000x128xf32, #tpu.memory_space<vmem_shared>> -> memref<1000x128xf32, #tpu.memory_space<vmem_shared>>
    tpu.wait_indirect_dma semaphore(%arg26 : memref<!tpu.dma_semaphore, #tpu.memory_space<semaphore_mem>>) src(%dma_wait3A_316 : memref<1000x128xf32, #tpu.memory_space<vmem_shared>>) dst(%arg19 : memref<128x128xf32, #tpu.memory_space<vmem>>)
    %add3A_317 = arith.constant 384 : i32
    %add3A_318 = arith.addi %mul3A_2, %add3A_317 : i32
    %dma_start3A_319 = arith.constant 0 : i32
    %dma_start3A_320 = tpu.memref_slice %arg11[%add3A_318, %dma_start3A_319] : memref<16384x128xf32, #tpu.memory_space<hbm>> -> memref<128x128xf32, #tpu.memory_space<hbm>>
    %dma_start3A_321 = arith.constant 0 : i32
    %dma_start3A_322 = tpu.memref_slice %arg11[%add3A_318, %dma_start3A_321] : memref<16384x128xf32, #tpu.memory_space<hbm>> -> memref<128x128xf32, #tpu.memory_space<hbm>>
    tpu.enqueue_dma source(%arg19 : memref<128x128xf32, #tpu.memory_space<vmem>>) target(%dma_start3A_322 : memref<128x128xf32, #tpu.memory_space<hbm>>) target_semaphore(%arg30 : memref<!tpu.dma_semaphore, #tpu.memory_space<semaphore_mem>>)
    %dma_wait3A_323 = arith.constant 0 : i32
    %dma_wait3A_324 = tpu.memref_slice %arg11[%add3A_267, %dma_wait3A_323] : memref<16384x128xf32, #tpu.memory_space<hbm>> -> memref<128x128xf32, #tpu.memory_space<hbm>>
    %dma_wait3A_325 = arith.constant 0 : i32
    %dma_wait3A_326 = tpu.memref_slice %arg11[%add3A_267, %dma_wait3A_325] : memref<16384x128xf32, #tpu.memory_space<hbm>> -> memref<128x128xf32, #tpu.memory_space<hbm>>
    tpu.wait_dma2 semaphore(%arg27 : memref<!tpu.dma_semaphore, #tpu.memory_space<semaphore_mem>>) src(%arg16 : memref<128x128xf32, #tpu.memory_space<vmem>>) dst(%dma_wait3A_326 : memref<128x128xf32, #tpu.memory_space<hbm>>)
    %dma_wait3A_327 = arith.constant 0 : i32
    %dma_wait3A_328 = tpu.memref_slice %arg11[%add3A_287, %dma_wait3A_327] : memref<16384x128xf32, #tpu.memory_space<hbm>> -> memref<128x128xf32, #tpu.memory_space<hbm>>
    %dma_wait3A_329 = arith.constant 0 : i32
    %dma_wait3A_330 = tpu.memref_slice %arg11[%add3A_287, %dma_wait3A_329] : memref<16384x128xf32, #tpu.memory_space<hbm>> -> memref<128x128xf32, #tpu.memory_space<hbm>>
    tpu.wait_dma2 semaphore(%arg28 : memref<!tpu.dma_semaphore, #tpu.memory_space<semaphore_mem>>) src(%arg17 : memref<128x128xf32, #tpu.memory_space<vmem>>) dst(%dma_wait3A_330 : memref<128x128xf32, #tpu.memory_space<hbm>>)
    %dma_wait3A_331 = arith.constant 0 : i32
    %dma_wait3A_332 = tpu.memref_slice %arg11[%add3A_307, %dma_wait3A_331] : memref<16384x128xf32, #tpu.memory_space<hbm>> -> memref<128x128xf32, #tpu.memory_space<hbm>>
    %dma_wait3A_333 = arith.constant 0 : i32
    %dma_wait3A_334 = tpu.memref_slice %arg11[%add3A_307, %dma_wait3A_333] : memref<16384x128xf32, #tpu.memory_space<hbm>> -> memref<128x128xf32, #tpu.memory_space<hbm>>
    tpu.wait_dma2 semaphore(%arg29 : memref<!tpu.dma_semaphore, #tpu.memory_space<semaphore_mem>>) src(%arg18 : memref<128x128xf32, #tpu.memory_space<vmem>>) dst(%dma_wait3A_334 : memref<128x128xf32, #tpu.memory_space<hbm>>)
    %dma_wait3A_335 = arith.constant 0 : i32
    %dma_wait3A_336 = tpu.memref_slice %arg11[%add3A_318, %dma_wait3A_335] : memref<16384x128xf32, #tpu.memory_space<hbm>> -> memref<128x128xf32, #tpu.memory_space<hbm>>
    %dma_wait3A_337 = arith.constant 0 : i32
    %dma_wait3A_338 = tpu.memref_slice %arg11[%add3A_318, %dma_wait3A_337] : memref<16384x128xf32, #tpu.memory_space<hbm>> -> memref<128x128xf32, #tpu.memory_space<hbm>>
    tpu.wait_dma2 semaphore(%arg30 : memref<!tpu.dma_semaphore, #tpu.memory_space<semaphore_mem>>) src(%arg19 : memref<128x128xf32, #tpu.memory_space<vmem>>) dst(%dma_wait3A_338 : memref<128x128xf32, #tpu.memory_space<hbm>>)
    return
  }
}

</mosaic_0001>

<sc_bundles>
// kernel: kernel.3.cloned.1.call-start
scs
__scs_entry_jumppad:
0x0: {  	(pc) =	sbr.rel $0x88, $3  }
0x1: {  	(tag) =	ssettag $0x0;
	lr =	simm.s32 $0x1  }
0x2: {  	[smem:$0x3F9B] =	sst lr;
	_ =	strace $0xD0000000  }
0x3: {  	_ = 	snop  }
0x4: {  	_ = 	snop  }
0x5: {  	_ = 	snop  }
0x6: {  	_ = 	snop  }
0x7: {  	_ = 	snop  }
__scs_overlays_trampoline_lowered:
0x8: {  	[smem:$0x3FAA] =	sst s0  }
0x9: {  	[smem:$0x3FAB] =	sst s1  }
0xa: {  	[smem:$0x3FAC] =	sst s2  }
0xb: {  	[smem:$0x3FAD] =	sst s3  }
0xc: {  	[smem:$0x3FAE] =	sst s4  }
0xd: {  	[smem:$0x3FAF] =	sst s5  }
0xe: {  	[smem:$0x3FB0] =	sst s6  }
0xf: {  	[smem:$0x3FB1] =	sst s7  }
0x10: {  	[smem:$0x3FB2] =	sst s8  }
0x11: {  	[smem:$0x3FB3] =	sst s9;
	s0 =	simm.s32 @!p0 $0x0  }
0x12: {  	s1 =	sld [smem:$0x3F99];
	s0 =	simm.s32 @p0 $0x1  }
0x13: {  	[smem:$0x3FB4] =	sst s0;
	s0 =	simm.s32 @!p1 $0x0  }
0x14: {  	s2 =	sld [smem:$0x3F98];
	s0 =	simm.s32 @p1 $0x1  }
0x15: {  	[smem:$0x3FB5] =	sst s0;
	s0 =	simm.s32 @!p2 $0x0  }
0x16: {  	s3 =	sld [smem:$0x3FDB];
	s0 =	simm.s32 @p2 $0x1  }
0x17: {  	s4 =	simm.s32 $0x1BF5;
	[smem:$0x3FB7] =	sst s0  }
0x18: {  	s0 =	sld [smem:$0x3F9A];
	_ =	swait.ge [sflag:s4], $0x0  }
0x19: {  	s7 =	sld [smem:$0x3F9B]  }
0x1a: {  	s8 =	sadd.s32 $0xFFFFE003, lr  }
0x1b: {  	s9 =	sadd.s32 $0xFFFFFEF7, lr;
	s5 =	simm.s32 $0xFFFFFFFF;
	p2 =	slt.u32 s8, $0xFFFFF086  }
0x1c: {  	p1 =	slt.u32 s9, $0xF7A;
	s5 =	simm.s32 @!p2 $0x0  }
0x1d: {  	s5 =	simm.s32 @p1 $0x1;
	p0 =	seq.s32 s7, s2  }
0x1e: {  	s7 =	smul.u32 @!p0 $0xF7A, s2;
	p2 =	seq.s32 @!p0 s5, $0x0  }
0x1f: {  	s9 =	smul.u32 $0xF7A, s1;
	s8 =	simm.s32 @!p0 $0x1BF5;
	p2 =	por !p2, p0  }
0x20: {  	[sflag:s8] =	ssyncset.s32 @!p0 $0xFFFFF086;
	s6 =	sadd.s32 @!p0 s3, s7;
	s7 =	simm.s32 @!p0 $0x108  }
0x21: {  	s3 =	sadd.s32 s3, s9;
	s6 =	sadd.s32 @!p0 $0x88, s6;
	s7 =	simm.s32 @p2 $0x1082  }
0x22: {  	[simem:s7], [sflag:s8] =	dma.local @!p0 [hbm:s6], $0xF7A  }
0x23: {  	s9 =	sor.u32 $0xD0000000, s2;
	s6 =	simm.s32 $0x108;
	_ =	swait.ge @!p0 [sflag:s8], $0x0  }
0x24: {  	s3 =	sadd.s32 $0x88, s3;
	s6 =	simm.s32 @!p1 $0x1082;
	[sflag:s4] =	ssyncset.s32 $0xFFFFF086  }
0x25: {  	[simem:s6], [sflag:s4] =	dma.local [hbm:s3], $0xF7A  }
0x26: {  	[smem:$0x3F9B] =	sst s1;
	(tag) =	ssettag s2;
	_ =	strace s9  }
0x27: {  	s1 =	sld [smem:$0x3FAB]  }
0x28: {  	s2 =	sld [smem:$0x3FAC]  }
0x29: {  	s4 =	sld [smem:$0x3FAE]  }
0x2a: {  	p0 =	seq.s32 s5, $0x0;
	s5 =	sld [smem:$0x3FAF]  }
0x2b: {  	s6 =	sld [smem:$0x3FB0]  }
0x2c: {  	s7 =	sld [smem:$0x3FB1]  }
0x2d: {  	s3 =	simm.s32 $0x108;
	s8 =	sld [smem:$0x3FB2]  }
0x2e: {  	s3 =	simm.s32 @!p0 $0x1082;
	s9 =	sld [smem:$0x3FB3]  }
0x2f: {  	lr =	sadd.s32 s0, s3;
	s0 =	sld [smem:$0x3FAA]  }
0x30: {  	s3 =	sld [smem:$0x3FAD]  }
0x31: {  	[smem:$0x3FB6] =	sst s10  }
0x32: {  	s10 =	sld [smem:$0x3FB4];
	_ =	sdelay $0x3  }
0x33: {  	p0 =	seq.s32 s10, $0x1;
	s10 =	sld [smem:$0x3FB6];
	_ =	sdelay $0x3  }
0x34: {  	[smem:$0x3FB6] =	sst s10  }
0x35: {  	s10 =	sld [smem:$0x3FB5];
	_ =	sdelay $0x3  }
0x36: {  	p1 =	seq.s32 s10, $0x1;
	s10 =	sld [smem:$0x3FB6];
	_ =	sdelay $0x3  }
0x37: {  	[smem:$0x3FB6] =	sst s10  }
0x38: {  	s10 =	sld [smem:$0x3FB7]  }
0x39: {  	_ = 	snop;
	(pc) =	sbr.ind lr, $3  }
0x3a: {  	_ = 	snop  }
0x3b: {  	_ = 	snop  }
0x3c: {  	p2 =	seq.s32 s10, $0x1;
	s10 =	sld [smem:$0x3FB6]  }
0x3d: {  	_ =	shalt  }
0x3e: {  	_ =	shalt  }
0x3f: {  	_ =	shalt  }
0x40: {  	_ =	shalt  }
0x41: {  	_ =	shalt  }
0x42: {  	_ =	shalt  }
0x43: {  	_ =	shalt  }
0x44: {  	_ =	shalt  }
0x45: {  	_ =	shalt  }
0x46: {  	_ =	shalt  }
0x47: {  	_ =	shalt  }
0x48: {  	_ =	shalt  }
0x49: {  	_ =	shalt  }
0x4a: {  	_ =	shalt  }
0x4b: {  	_ =	shalt  }
0x4c: {  	_ =	shalt  }
0x4d: {  	_ =	shalt  }
0x4e: {  	_ =	shalt  }
0x4f: {  	_ =	shalt  }
0x50: {  	_ =	shalt  }
0x51: {  	_ =	shalt  }
0x52: {  	_ =	shalt  }
0x53: {  	_ =	shalt  }
0x54: {  	_ =	shalt  }
0x55: {  	_ =	shalt  }
0x56: {  	_ =	shalt  }
0x57: {  	_ =	shalt  }
0x58: {  	_ =	shalt  }
0x59: {  	_ =	shalt  }
0x5a: {  	_ =	shalt  }
0x5b: {  	_ =	shalt  }
0x5c: {  	_ =	shalt  }
0x5d: {  	_ =	shalt  }
0x5e: {  	_ =	shalt  }
0x5f: {  	_ =	shalt  }
0x60: {  	_ =	shalt  }
0x61: {  	_ =	shalt  }
0x62: {  	_ =	shalt  }
0x63: {  	_ =	shalt  }
0x64: {  	_ =	shalt  }
0x65: {  	_ =	shalt  }
0x66: {  	_ =	shalt  }
0x67: {  	_ =	shalt  }
0x68: {  	_ =	shalt  }
0x69: {  	_ =	shalt  }
0x6a: {  	_ =	shalt  }
0x6b: {  	_ =	shalt  }
0x6c: {  	_ =	shalt  }
0x6d: {  	_ =	shalt  }
0x6e: {  	_ =	shalt  }
0x6f: {  	_ =	shalt  }
0x70: {  	_ =	shalt  }
0x71: {  	_ =	shalt  }
0x72: {  	_ =	shalt  }
0x73: {  	_ =	shalt  }
0x74: {  	_ =	shalt  }
0x75: {  	_ =	shalt  }
0x76: {  	_ =	shalt  }
0x77: {  	_ =	shalt  }
0x78: {  	_ =	shalt  }
0x79: {  	_ =	shalt  }
0x7a: {  	_ =	shalt  }
0x7b: {  	_ =	shalt  }
0x7c: {  	_ =	shalt  }
0x7d: {  	_ =	shalt  }
0x7e: {  	_ =	shalt  }
0x7f: {  	_ =	shalt  }
0x80: {  	_ =	shalt  }
0x81: {  	_ =	shalt  }
0x82: {  	_ =	shalt  }
0x83: {  	_ =	shalt  }
0x84: {  	_ =	shalt  }
0x85: {  	_ =	shalt  }
0x86: {  	_ =	shalt  }
0x87: {  	_ =	shalt  }
.Lfunc_end0:
.L_simem_size_0:
called_computation_lowered:
.L_overlay_start_0:
0x88: {  	s2 =	sld [smem:$0x3FD9]  }
0x89: {  	s3 =	sld [smem:$0x3FFE];
	_ =	sdelay $0x1  }
0x8a: {  	s1 =	srdreg.scid  }
0x8b: {  	s0 =	sand.u32 $0x1, s1  }
0x8c: {  	s30 =	sshll.u32 s0, $0xA;
	s2 =	sadd.s32 s3, s2  }
0x8d: {  	s2 =	sadd.s32 s2, s30  }
0x8e: {  	[smem:$0x3FC2] =	sst s2  }
0x8f: {  	_ = 	snop  }
0x90: {  	s2 =	sld [smem:$0x3FC9]  }
0x91: {  	s31 =	sld [smem:$0x3FC8]  }
0x92: {  	s4 =	sld [smem:$0x3FC7]  }
0x93: {  	s5 =	sld [smem:$0x3FD0]  }
0x94: {  	s6 =	sld [smem:$0x3FC6]  }
0x95: {  	s7 =	sld [smem:$0x3FC5]  }
0x96: {  	s9 =	simm.s32 $0xA;
	s10 =	simm.s32 $0x10;
	s8 =	sld [smem:$0x3FC4]  }
0x97: {  	[smem:s10], [sflag:s9] =	dma.local [hbm:s5], $0x1  }
0x98: {  	_ =	swait.eq [sflag:s9], $0x1  }
0x99: {  	s17 =	sld [smem:$0x10]  }
0x9a: {  	s18 =	sld [smem:$0x11];
	[sflag:s9] =	ssyncset.done $0x0  }
0x9b: {  	s11 =	sld [smem:$0x12];
	[sflag:s9] =	ssyncadd.s32 $0xFFFFFFFF  }
0x9c: {  	s19 =	sld [smem:$0x13];
	(tm) =	ssettm $0x1  }
0x9d: {  	s12 =	sld [smem:$0x3FFB];
	_ =	sdelay $0x3  }
0x9e: {  	_ =	strace s12  }
0x9f: {  	s12 =	sld [smem:$0x3FFC];
	_ =	sdelay $0x3  }
0xa0: {  	_ =	strace s12  }
0xa1: {  	s12 =	sld [smem:$0x3FFD];
	_ =	sdelay $0x3  }
0xa2: {  	_ =	strace s12  }
0xa3: {  	_ =	strace $0x8FFFFFFF  }
0xa4: {  	s20 =	sld [smem:$0x3FDB];
	_ =	sdelay $0x1  }
0xa5: {  	s13 =	simm.s32 $_scs_section_size  }
0xa6: {  	s14 =	simm.s32 $_size__tile_overlayer_lowered;
	s15 =	simm.s32 $_tile_overlayer_lowered  }
0xa7: {  	s23 =	simm.s32 $0x1BFF;
	s22 =	sshll.u32 s15, $0x1;
	s12 =	sadd.s32 s13, s20  }
0xa8: {  	s16 =	simm.s32 $0x0;
	s21 =	sshll.u32 s14, $0x1;
	s14 =	sadd.s32 s22, s12  }
0xa9: {  	[timem:s16], [sflag:s23] =	dma.local [hbm:s14], s21  }
0xaa: {  	_ =	swait.ge [sflag:s23], s21  }
0xab: {  	s13 =	ssub.s32 $0x0, s21;
	[sflag:s23] =	ssyncset.done $0x0  }
0xac: {  	[sflag:s23] =	ssyncadd.s32 s13;
	_ =	sdelay $0x1  }
0xad: {  	s24 =	simm.s32 $0x1B8B  }
0xae: {  	_ =	swait.ge [sflag:s24], $0x1  }
0xaf: {  	[sflag:s24] =	ssyncset.done $0x0  }
0xb0: {  	s25 =	simm.s32 $0x1B8E;
	[sflag:s24] =	ssyncadd.s32 $0xFFFFFFFF  }
0xb1: {  	s26 =	simm.s32 $execute0_lowered;
	[smem:$0x3FD2] =	sst s25  }
0xb2: {  	s13 =	sshll.u32 s26, $0x1;
	_ =	strace $0x80000046;
	[dreg:$0x1] =	wrdreg $0xFFFFFFFF  }
0xb3: {  	s28 =	simm.s32 $_size_execute0_lowered;
	s12 =	sadd.s32 s12, s13;
	[dreg:$0x0] =	wrdreg $0x0  }
0xb4: {  	s13 =	sshll.u32 s28, $0x1;
	[dreg:$0x2] =	wrdreg s12  }
0xb5: {  	[dreg:$0x3] =	wrdreg s13  }
0xb6: {  	[dreg:$0x4] =	wrdreg $0xC0  }
0xb7: {  	_ =	task [dreg:s16], $0x5FFFF  }
0xb8: {  	[dreg:$0x1] =	wrdreg $0xFFFFFFFF  }
0xb9: {  	[dreg:$0x0] =	wrdreg $0x60  }
0xba: {  	[dreg:$0x2] =	wrdreg s2  }
0xbb: {  	[dreg:$0x3] =	wrdreg s31  }
0xbc: {  	[dreg:$0x4] =	wrdreg s4  }
0xbd: {  	[dreg:$0x5] =	wrdreg s6  }
0xbe: {  	[dreg:$0x6] =	wrdreg s7  }
0xbf: {  	[dreg:$0x7] =	wrdreg s8  }
0xc0: {  	[dreg:$0x8] =	wrdreg s17  }
0xc1: {  	[dreg:$0x9] =	wrdreg s18  }
0xc2: {  	[dreg:$0xa] =	wrdreg s11  }
0xc3: {  	[dreg:$0xb] =	wrdreg s19  }
0xc4: {  	[dreg:$0xc] =	wrdreg $0x108000  }
0xc5: {  	[dreg:$0xd] =	wrdreg $0x9  }
0xc6: {  	_ =	task.clear_ibuf [dreg:s16], $0xEFFFF;
	_ =	strace $0x90000046  }
0xc7: {  	s29 =	simm.s32 $0x9;
	_ =	strace $0x80000048  }
0xc8: {  	_ =	swait.ge [sflag:s29], $0x1  }
0xc9: {  	[sflag:s29] =	ssyncadd.s32 $0xFFFFFFFF  }
0xca: {  	_ =	strace $0x90000048  }
0xcb: {  	_ =	sfence  }
0xcc: {  	s30 =	sld [smem:$0x0];
	_ =	sdelay $0x2  }
0xcd: {  	s31 =	sshll.u32 s1, $0xD;
	s1 =	sshrl.u32 s1, $0x2  }
0xce: {  	s3 =	sand.u32 $0x4000, s31;
	s1 =	sadd.s32 s1, s30  }
0xcf: {  	s0 =	sor.u32 s3, s0;
	s1 =	sshll.u32 s1, $0x11  }
0xd0: {  	s0 =	sor.u32 s1, s0  }
0xd1: {  	s0 =	sadd.s32 $0x8F2B, s0  }
0xd2: {  	[sflag:s0] =	ssyncadd.remote.s32 $0x1  }
0xd3: {  	_ =	sfence.sel $0xFFFF  }
0xd4: {  	[dreg:$0x0] =	wrdreg $0xFFFFFFFF;
	(pc) =	sbr.abs _section_cstart, $3  }
0xd5: {  	[dreg:$0x1] =	wrdreg $0xFFFFFFFF  }
0xd6: {  	_ =	task.clear_ibuf [dreg:s16], $0x2FFFF;
	_ =	strace $0x9FFFFFFF  }
0xd7: {  	(tm) =	ssettm $0x7FFFFFFF  }
tec
execute0_lowered:
.L_overlay_start_1:
0x0: {  	(tag) =	ssettag $0x1  }
0x1: {  	s5 =	rddreg [dreg:$0x0]  }
0x2: {  	s6 =	rddreg [dreg:$0x1]  }
0x3: {  	s7 =	rddreg [dreg:$0x2]  }
0x4: {  	s8 =	rddreg [dreg:$0x3]  }
0x5: {  	s4 =	rddreg [dreg:$0x4]  }
0x6: {  	s9 =	rddreg [dreg:$0x5]  }
0x7: {  	s10 =	rddreg [dreg:$0x6]  }
0x8: {  	s11 =	rddreg [dreg:$0x7]  }
0x9: {  	s12 =	rddreg [dreg:$0x8]  }
0xa: {  	s1 =	srdreg.scid;
	s13 =	rddreg [dreg:$0x9]  }
0xb: {  	s29 =	stileid.u32;
	s3 =	rddreg [dreg:$0xa];
	s14 =	sand.u32 $0x1, s1  }
0xc: {  	s15 =	sshll.u32 s29, $0xA;
	s24 =	smul.u32 $0xC80, s29;
	s16 =	sshll.u32 s14, $0x9  }
0xd: {  	s30 =	rddreg [dreg:$0xb];
	s2 =	simm.s32 $0x0;
	s15 =	sor.u32 s16, s15  }
0xe: {  	[smem:$0x7FF] =	sst s2;
	s26 =	sadd.s32 s9, s24;
	s16 =	sshrl.u32 s15, $0x3  }
0xf: {  	_ =	strace $0x80000047;
	[dreg:$0x10] =	wrdreg s26;
	s5 =	sadd.s32 s5, s16  }
0x10: {  	s22 =	sadd.s32 s6, s16;
	[dreg:$0xc] =	wrdreg s5  }
0x11: {  	s23 =	sadd.s32 s7, s16;
	[dreg:$0xd] =	wrdreg s22  }
0x12: {  	s0 =	sshll.u32 s15, $0x4;
	s25 =	sadd.s32 s8, s16;
	[dreg:$0xe] =	wrdreg s23  }
0x13: {  	s1 =	sadd.s32 s10, s0;
	[dreg:$0xf] =	wrdreg s25  }
0x14: {  	s7 =	sor.u32 $0x800, s0;
	s18 =	sadd.s32 s12, s0;
	[dreg:$0x11] =	wrdreg s1  }
0x15: {  	s9 =	sor.u32 $0x1000, s0;
	s8 =	sadd.s32 s10, s7;
	[dreg:$0x15] =	wrdreg s18  }
0x16: {  	s16 =	sor.u32 $0x1800, s0;
	s15 =	sadd.s32 s10, s9;
	[dreg:$0x12] =	wrdreg s8  }
0x17: {  	s17 =	sadd.s32 s10, s16;
	[dreg:$0x13] =	wrdreg s15  }
0x18: {  	p1 =	por $0x0, $0x0;
	s19 =	sadd.s32 s12, s7;
	[dreg:$0x14] =	wrdreg s17  }
0x19: {  	p0 =	sgt.u32 s29, $0x4;
	s20 =	sadd.s32 s12, s9;
	[dreg:$0x16] =	wrdreg s19  }
0x1a: {  	s31 =	sshll.u32 @!p0 s29, $0x6;
	s21 =	sadd.s32 s12, s16;
	[dreg:$0x17] =	wrdreg s20  }
0x1b: {  	s26 =	ssub.s32 $0x2, s14;
	s22 =	sadd.s32 s11, s0;
	[dreg:$0x18] =	wrdreg s21  }
0x1c: {  	s23 =	sadd.s32 s11, s7;
	s24 =	sadd.s32 s11, s9;
	[dreg:$0x19] =	wrdreg s22  }
0x1d: {  	s25 =	sadd.s32 s11, s16;
	s0 =	sadd.s32 s13, s0;
	[dreg:$0x1a] =	wrdreg s23  }
0x1e: {  	s1 =	smul.u32 $0x19000, s29;
	s7 =	sadd.s32 s13, s7;
	[dreg:$0x1b] =	wrdreg s24  }
0x1f: {  	s11 =	sshrl.u32 s26, $0x1;
	s12 =	sadd.s32 s13, s9;
	[dreg:$0x1c] =	wrdreg s25  }
0x20: {  	s14 =	sadd.s32 s13, s16;
	s18 =	simm.s32 $0x600;
	[dreg:$0x1d] =	wrdreg s0  }
0x21: {  	s16 =	simm.s32 $0x800;
	s9 =	simm.s32 $0x8800;
	[dreg:$0x1e] =	wrdreg s7  }
0x22: {  	s13 =	simm.s32 $0x5;
	s10 =	simm.s32 $0x8;
	[dreg:$0x1f] =	wrdreg s12  }
0x23: {  	s7 =	ssub.s32 s26, s11;
	[smem:$0x7F6] =	sst s14;
	s22 =	simm.s32 $0x200  }
0x24: {  	s25 =	simm.s32 $0x400;
	s26 =	simm.s32 $0x1;
	s12 =	simm.s32 $0x4800  }
0x25: {  	s15 =	simm.s32 $0x100;
	s17 =	simm.s32 $0x3;
	s20 =	simm.s32 $0x180  }
0x26: {  	s21 =	simm.s32 $0x480;
	s23 =	simm.s32 $0x500;
	s14 =	simm.s32 $0x6  }
0x27: {  	s24 =	simm.s32 $0x580;
	s11 =	simm.s32 $0x9;
	[smem:$0x7F8] =	sst s15  }
0x28: {  	s8 =	simm.s32 $0xA;
	s19 =	smax.u32 s7, $0x1;
	[smem:$0x7F9] =	sst s20  }
0x29: {  	s6 =	sshrl.u32 s1, $0x2;
	[smem:$0x7FA] =	sst s21;
	s28 =	sadd.s32 $0xFFFFFFFF, s19  }
0x2a: {  	s15 =	simm.s32 $0x4;
	[smem:$0x7FB] =	sst s23;
	p2 =	sne.s32 s28, $0x0  }
.Ltmp0:
0x2b: {  	s7 =	simm.s32 $0x7;
	[smem:$0x7FC] =	sst s24;
	(pc) =	sbr.rel @!p2 .LBB2_5-.Ltmp0, $4  }
0x2c: {  	s20 =	simm.s32 $0x280;
	s24 =	simm.s32 $0x300;
	s23 =	simm.s32 $0x380  }
0x2d: {  	s21 =	simm.s32 $0x680;
	s6 =	sadd.s32 s6, s3;
	[smem:$0x7FD] =	sst s20  }
0x2e: {  	s20 =	simm.s32 $0x700;
	s19 =	simm.s32 $0x780;
	s5 =	sshrl.u32 @!p0 s6, $0x3  }
0x2f: {  	s6 =	simm.s32 $0xC800;
	[smem:$0x7F7] =	sst s5;
	s5 =	simm.s32 $0x80  }
0x30: {  	s29 =	rddreg [dreg:$0xc]  }
0x31: {  	s1 =	rddreg [dreg:$0x10]  }
0x32: {  	s30 =	rddreg [dreg:$0xd]  }
0x33: {  	[tilespmem:s2], [sflag:$0x1] =	stream.linear.gather [hbm4b:s29+s2], $0x200, $0x38;
	[tilespmem:$0x12740] =	vst v63  }
0x34: {  	s0 =	sld [smem:$0x7F7]  }
0x35: {  	[tilespmem:s22], [sflag:$0x1] =	stream.linear.gather [hbm4b:s30+s2], $0x200, $0x38;
	[tilespmem:$0x12740] =	vst v63  }
0x36: {  	s29 =	rddreg [dreg:$0xe]  }
0x37: {  	[tilespmem:s25], [sflag:$0x1] =	stream.linear.gather [hbm4b:s29+s2], $0x200, $0x38;
	[tilespmem:$0x12740] =	vst v63  }
0x38: {  	s30 =	rddreg [dreg:$0xf]  }
0x39: {  	[tilespmem:s18], [sflag:$0x1] =	stream.linear.gather [hbm4b:s30+s2], $0x200, $0x38;
	[tilespmem:$0x12740] =	vst v63  }
0x3a: {  	[smem:$0x7F5] =	sst s31;
	s29 =	sor.u32 @!p0 $0x1C02, s31;
	s30 =	simm.s32 @!p0 $0x2  }
0x3b: {  	[spmem:s0], [sflag:s29] =	dma.local @!p0 [hbm:s1], $0xC80  }
0x3c: {  	_ =	swait.ge @!p0 [sflag:s30], $0xC80  }
0x3d: {  	[sflag:s30] =	ssyncset.done @!p0 $0x0  }
0x3e: {  	[sflag:s30] =	ssyncadd.s32 @!p0 $0xFFFFF380  }
0x3f: {  	_ =	swait.ge [sflag:s26], $0x200  }
0x40: {  	[sflag:s26] =	ssyncset.done $0x0  }
0x41: {  	[sflag:s26] =	ssyncadd.s32 $0xFFFFFE00  }
0x42: {  	_ =	swait.ge [sflag:s26], $0x200  }
0x43: {  	[sflag:s26] =	ssyncset.done $0x0  }
0x44: {  	[sflag:s26] =	ssyncadd.s32 $0xFFFFFE00  }
0x45: {  	_ =	swait.ge [sflag:s26], $0x200  }
0x46: {  	[sflag:s26] =	ssyncset.done $0x0  }
0x47: {  	[sflag:s26] =	ssyncadd.s32 $0xFFFFFE00  }
0x48: {  	_ =	swait.ge [sflag:s26], $0x200  }
0x49: {  	[sflag:s26] =	ssyncset.done $0x0  }
0x4a: {  	[sflag:s26] =	ssyncadd.s32 $0xFFFFFE00  }
0x4b: {  	[tilespmem:s16], [sflag:$0x3] =	stream.indirect.gather [hbm4b:s4+s5], $0x80, s2, s5, $0xb8;
	[tilespmem:$0x12740] =	vst v63  }
0x4c: {  	_ = 	snop  }
0x4d: {  	[tilespmem:s12], [sflag:$0x4] =	stream.indirect.gather [hbm4b:s4+s5], $0x80, s5, s5, $0xb8;
	[tilespmem:$0x12740] =	vst v63  }
0x4e: {  	_ =	swait.ge [sflag:s17], $0x4000  }
0x4f: {  	s0 =	rddreg [dreg:$0x11];
	[sflag:s17] =	ssyncset.done $0x0  }
0x50: {  	s1 =	sld [smem:$0x7F8];
	[sflag:s17] =	ssyncadd.s32 $0xFFFFC000  }
0x51: {  	[hbm4b:s0+s2] =	stream.linear.scatter [tilespmem:s16], [sflag:$0x7], $0x4000, $0x38;
	[tilespmem:$0x12740] =	vst v63  }
0x52: {  	_ = 	snop  }
0x53: {  	[tilespmem:s9], [sflag:$0x5] =	stream.indirect.gather [hbm4b:s4+s5], $0x80, s1, s5, $0xb8;
	[tilespmem:$0x12740] =	vst v63  }
0x54: {  	_ =	swait.ge [sflag:s15], $0x4000  }
0x55: {  	s0 =	rddreg [dreg:$0x12];
	[sflag:s15] =	ssyncset.done $0x0  }
0x56: {  	s1 =	sld [smem:$0x7F9];
	[sflag:s15] =	ssyncadd.s32 $0xFFFFC000  }
0x57: {  	[hbm4b:s0+s2] =	stream.linear.scatter [tilespmem:s12], [sflag:$0x8], $0x4000, $0x38;
	[tilespmem:$0x12740] =	vst v63  }
0x58: {  	_ = 	snop  }
0x59: {  	[tilespmem:s6], [sflag:$0x6] =	stream.indirect.gather [hbm4b:s4+s5], $0x80, s1, s5, $0xb8;
	[tilespmem:$0x12740] =	vst v63  }
0x5a: {  	_ =	swait.ge [sflag:s13], $0x4000  }
0x5b: {  	[sflag:s13] =	ssyncset.done $0x0  }
0x5c: {  	s1 =	rddreg [dreg:$0x13];
	[sflag:s13] =	ssyncadd.s32 $0xFFFFC000  }
0x5d: {  	[hbm4b:s1+s2] =	stream.linear.scatter [tilespmem:s9], [sflag:$0x9], $0x4000, $0x38;
	[tilespmem:$0x12740] =	vst v63  }
0x5e: {  	_ =	swait.ge [sflag:s7], $0x4000  }
0x5f: {  	[sflag:s7] =	ssyncset.done $0x0  }
0x60: {  	[sflag:s7] =	ssyncadd.s32 $0xFFFFC000  }
0x61: {  	[tilespmem:s16], [sflag:$0x3] =	stream.indirect.gather [hbm4b:s4+s5], $0x80, s25, s5, $0xb8;
	[tilespmem:$0x12740] =	vst v63  }
0x62: {  	_ =	swait.ge [sflag:s14], $0x4000  }
0x63: {  	[sflag:s14] =	ssyncset.done $0x0  }
0x64: {  	s1 =	rddreg [dreg:$0x14];
	[sflag:s14] =	ssyncadd.s32 $0xFFFFC000  }
0x65: {  	[hbm4b:s1+s2] =	stream.linear.scatter [tilespmem:s6], [sflag:$0xA], $0x4000, $0x38;
	[tilespmem:$0x12740] =	vst v63  }
0x66: {  	_ =	swait.ge [sflag:s10], $0x4000  }
0x67: {  	s1 =	sld [smem:$0x7FA]  }
0x68: {  	[sflag:s10] =	ssyncset.done $0x0  }
0x69: {  	[sflag:s10] =	ssyncadd.s32 $0xFFFFC000  }
0x6a: {  	[tilespmem:s12], [sflag:$0x4] =	stream.indirect.gather [hbm4b:s4+s5], $0x80, s1, s5, $0xb8;
	[tilespmem:$0x12740] =	vst v63  }
0x6b: {  	_ =	swait.ge [sflag:s17], $0x4000  }
0x6c: {  	[sflag:s17] =	ssyncset.done $0x0  }
0x6d: {  	s1 =	rddreg [dreg:$0x15];
	[sflag:s17] =	ssyncadd.s32 $0xFFFFC000  }
0x6e: {  	[hbm4b:s1+s2] =	stream.linear.scatter [tilespmem:s16], [sflag:$0x7], $0x4000, $0x38;
	[tilespmem:$0x12740] =	vst v63  }
0x6f: {  	_ =	swait.ge [sflag:s11], $0x4000  }
0x70: {  	s1 =	sld [smem:$0x7FB]  }
0x71: {  	[sflag:s11] =	ssyncset.done $0x0  }
0x72: {  	[sflag:s11] =	ssyncadd.s32 $0xFFFFC000  }
0x73: {  	[tilespmem:s9], [sflag:$0x5] =	stream.indirect.gather [hbm4b:s4+s5], $0x80, s1, s5, $0xb8;
	[tilespmem:$0x12740] =	vst v63  }
0x74: {  	_ =	swait.ge [sflag:s15], $0x4000  }
0x75: {  	[sflag:s15] =	ssyncset.done $0x0  }
0x76: {  	s1 =	rddreg [dreg:$0x16];
	[sflag:s15] =	ssyncadd.s32 $0xFFFFC000  }
0x77: {  	[hbm4b:s1+s2] =	stream.linear.scatter [tilespmem:s12], [sflag:$0x8], $0x4000, $0x38;
	[tilespmem:$0x12740] =	vst v63  }
0x78: {  	_ =	swait.ge [sflag:s8], $0x4000  }
0x79: {  	s1 =	sld [smem:$0x7FC]  }
0x7a: {  	[sflag:s8] =	ssyncset.done $0x0  }
0x7b: {  	[sflag:s8] =	ssyncadd.s32 $0xFFFFC000  }
0x7c: {  	[tilespmem:s6], [sflag:$0x6] =	stream.indirect.gather [hbm4b:s4+s5], $0x80, s1, s5, $0xb8;
	[tilespmem:$0x12740] =	vst v63  }
0x7d: {  	_ =	swait.ge [sflag:s13], $0x4000  }
0x7e: {  	[sflag:s13] =	ssyncset.done $0x0  }
0x7f: {  	s1 =	rddreg [dreg:$0x17];
	[sflag:s13] =	ssyncadd.s32 $0xFFFFC000  }
0x80: {  	[hbm4b:s1+s2] =	stream.linear.scatter [tilespmem:s9], [sflag:$0x9], $0x4000, $0x38;
	[tilespmem:$0x12740] =	vst v63  }
0x81: {  	[bflag:$0x0] =	sbarrier.arrive $0xFFFF  }
0x82: {  	_ =	swait.ge [sflag:s7], $0x4000  }
0x83: {  	[sflag:s7] =	ssyncset.done $0x0  }
0x84: {  	[sflag:s7] =	ssyncadd.s32 $0xFFFFC000  }
0x85: {  	[tilespmem:s16], [sflag:$0x3] =	stream.indirect.gather [spmem:s3], $0x80, s22, s5, $0xb8;
	[tilespmem:$0x12740] =	vst v63  }
0x86: {  	_ =	swait.ge [sflag:s14], $0x4000  }
0x87: {  	[sflag:s14] =	ssyncset.done $0x0  }
0x88: {  	s1 =	rddreg [dreg:$0x18];
	[sflag:s14] =	ssyncadd.s32 $0xFFFFC000  }
0x89: {  	[hbm4b:s1+s2] =	stream.linear.scatter [tilespmem:s6], [sflag:$0xA], $0x4000, $0x38;
	[tilespmem:$0x12740] =	vst v63  }
0x8a: {  	_ =	swait.ge [sflag:s10], $0x4000  }
0x8b: {  	s1 =	sld [smem:$0x7FD]  }
0x8c: {  	[sflag:s10] =	ssyncset.done $0x0  }
0x8d: {  	[sflag:s10] =	ssyncadd.s32 $0xFFFFC000  }
0x8e: {  	[tilespmem:s12], [sflag:$0x4] =	stream.indirect.gather [spmem:s3], $0x80, s1, s5, $0xb8;
	[tilespmem:$0x12740] =	vst v63  }
0x8f: {  	_ =	swait.ge [sflag:s17], $0x4000  }
0x90: {  	[sflag:s17] =	ssyncset.done $0x0  }
0x91: {  	s1 =	rddreg [dreg:$0x19];
	[sflag:s17] =	ssyncadd.s32 $0xFFFFC000  }
0x92: {  	[hbm4b:s1+s2] =	stream.linear.scatter [tilespmem:s16], [sflag:$0x7], $0x4000, $0x38;
	[tilespmem:$0x12740] =	vst v63  }
0x93: {  	_ =	swait.ge [sflag:s11], $0x4000  }
0x94: {  	[sflag:s11] =	ssyncset.done $0x0  }
0x95: {  	[sflag:s11] =	ssyncadd.s32 $0xFFFFC000  }
0x96: {  	[tilespmem:s9], [sflag:$0x5] =	stream.indirect.gather [spmem:s3], $0x80, s24, s5, $0xb8;
	[tilespmem:$0x12740] =	vst v63  }
0x97: {  	_ =	swait.ge [sflag:s15], $0x4000  }
0x98: {  	[sflag:s15] =	ssyncset.done $0x0  }
0x99: {  	s1 =	rddreg [dreg:$0x1a];
	[sflag:s15] =	ssyncadd.s32 $0xFFFFC000  }
0x9a: {  	[hbm4b:s1+s2] =	stream.linear.scatter [tilespmem:s12], [sflag:$0x8], $0x4000, $0x38;
	[tilespmem:$0x12740] =	vst v63  }
0x9b: {  	_ =	swait.ge [sflag:s8], $0x4000  }
0x9c: {  	[sflag:s8] =	ssyncset.done $0x0  }
0x9d: {  	[sflag:s8] =	ssyncadd.s32 $0xFFFFC000  }
0x9e: {  	[tilespmem:s6], [sflag:$0x6] =	stream.indirect.gather [spmem:s3], $0x80, s23, s5, $0xb8;
	[tilespmem:$0x12740] =	vst v63  }
0x9f: {  	_ =	swait.ge [sflag:s13], $0x4000  }
0xa0: {  	[sflag:s13] =	ssyncset.done $0x0  }
0xa1: {  	s1 =	rddreg [dreg:$0x1b];
	[sflag:s13] =	ssyncadd.s32 $0xFFFFC000  }
0xa2: {  	[hbm4b:s1+s2] =	stream.linear.scatter [tilespmem:s9], [sflag:$0x9], $0x4000, $0x38;
	[tilespmem:$0x12740] =	vst v63  }
0xa3: {  	_ =	swait.ge [sflag:s7], $0x4000  }
0xa4: {  	[sflag:s7] =	ssyncset.done $0x0  }
0xa5: {  	[sflag:s7] =	ssyncadd.s32 $0xFFFFC000  }
0xa6: {  	[tilespmem:s16], [sflag:$0x3] =	stream.indirect.gather [spmem:s3], $0x80, s18, s5, $0xb8;
	[tilespmem:$0x12740] =	vst v63  }
0xa7: {  	_ =	swait.ge [sflag:s14], $0x4000  }
0xa8: {  	[sflag:s14] =	ssyncset.done $0x0  }
0xa9: {  	s1 =	rddreg [dreg:$0x1c];
	[sflag:s14] =	ssyncadd.s32 $0xFFFFC000  }
0xaa: {  	[hbm4b:s1+s2] =	stream.linear.scatter [tilespmem:s6], [sflag:$0xA], $0x4000, $0x38;
	[tilespmem:$0x12740] =	vst v63  }
0xab: {  	_ =	swait.ge [sflag:s10], $0x4000  }
0xac: {  	[sflag:s10] =	ssyncset.done $0x0  }
0xad: {  	[sflag:s10] =	ssyncadd.s32 $0xFFFFC000  }
0xae: {  	[tilespmem:s12], [sflag:$0x4] =	stream.indirect.gather [spmem:s3], $0x80, s21, s5, $0xb8;
	[tilespmem:$0x12740] =	vst v63  }
0xaf: {  	_ =	swait.ge [sflag:s17], $0x4000  }
0xb0: {  	[sflag:s17] =	ssyncset.done $0x0  }
0xb1: {  	s1 =	rddreg [dreg:$0x1d];
	[sflag:s17] =	ssyncadd.s32 $0xFFFFC000  }
0xb2: {  	[hbm4b:s1+s2] =	stream.linear.scatter [tilespmem:s16], [sflag:$0x7], $0x4000, $0x38;
	[tilespmem:$0x12740] =	vst v63  }
0xb3: {  	_ =	swait.ge [sflag:s11], $0x4000  }
0xb4: {  	[sflag:s11] =	ssyncset.done $0x0  }
0xb5: {  	[sflag:s11] =	ssyncadd.s32 $0xFFFFC000  }
0xb6: {  	[tilespmem:s9], [sflag:$0x5] =	stream.indirect.gather [spmem:s3], $0x80, s20, s5, $0xb8;
	[tilespmem:$0x12740] =	vst v63  }
0xb7: {  	_ =	swait.ge [sflag:s15], $0x4000  }
0xb8: {  	[sflag:s15] =	ssyncset.done $0x0  }
0xb9: {  	s1 =	rddreg [dreg:$0x1e];
	[sflag:s15] =	ssyncadd.s32 $0xFFFFC000  }
0xba: {  	[hbm4b:s1+s2] =	stream.linear.scatter [tilespmem:s12], [sflag:$0x8], $0x4000, $0x38;
	[tilespmem:$0x12740] =	vst v63  }
0xbb: {  	_ =	swait.ge [sflag:s8], $0x4000  }
0xbc: {  	[sflag:s8] =	ssyncset.done $0x0  }
0xbd: {  	[sflag:s8] =	ssyncadd.s32 $0xFFFFC000  }
0xbe: {  	[tilespmem:s6], [sflag:$0x6] =	stream.indirect.gather [spmem:s3], $0x80, s19, s5, $0xb8;
	[tilespmem:$0x12740] =	vst v63  }
0xbf: {  	_ =	swait.ge [sflag:s13], $0x4000  }
0xc0: {  	[sflag:s13] =	ssyncset.done $0x0  }
0xc1: {  	s1 =	rddreg [dreg:$0x1f];
	[sflag:s13] =	ssyncadd.s32 $0xFFFFC000  }
0xc2: {  	[hbm4b:s1+s2] =	stream.linear.scatter [tilespmem:s9], [sflag:$0x9], $0x4000, $0x38;
	[tilespmem:$0x12740] =	vst v63  }
0xc3: {  	_ =	swait.ge [sflag:s14], $0x4000  }
0xc4: {  	s1 =	sld [smem:$0x7F6]  }
0xc5: {  	[sflag:s14] =	ssyncset.done $0x0  }
0xc6: {  	[sflag:s14] =	ssyncadd.s32 $0xFFFFC000  }
0xc7: {  	[hbm4b:s1+s2] =	stream.linear.scatter [tilespmem:s6], [sflag:$0xA], $0x4000, $0x38;
	[tilespmem:$0x12740] =	vst v63  }
0xc8: {  	_ =	swait.ge [sflag:s7], $0x4000  }
0xc9: {  	[sflag:s7] =	ssyncset.done $0x0  }
0xca: {  	[sflag:s7] =	ssyncadd.s32 $0xFFFFC000  }
0xcb: {  	s31 =	sadd.s32 $0xFFFFFFFF, s28;
	_ =	swait.ge [sflag:s10], $0x4000  }
0xcc: {  	p2 =	sne.s32 s31, $0x0;
	[sflag:s10] =	ssyncset.done $0x0  }
.Ltmp1:
0xcd: {  	[sflag:s10] =	ssyncadd.s32 $0xFFFFC000;
	(pc) =	sbr.rel @!p2 .LBB2_2-.Ltmp1, $4  }
0xce: {  	_ =	swait.ge [sflag:s11], $0x4000  }
0xcf: {  	[sflag:s11] =	ssyncset.done $0x0  }
0xd0: {  	[sflag:s11] =	ssyncadd.s32 $0xFFFFC000  }
0xd1: {  	p1 =	por $0x1, $0x1;
	_ =	swait.ge [sflag:s8], $0x4000  }
.LBB2_3:
0xd2: {  	s0 =	rddreg [dreg:$0xc];
	[sflag:s8] =	ssyncset.done $0x0  }
0xd3: {  	s1 =	rddreg [dreg:$0x10];
	[sflag:s8] =	ssyncadd.s32 $0xFFFFC000  }
0xd4: {  	[tilespmem:s2], [sflag:$0x1] =	stream.linear.gather [hbm4b:s0+s2], $0x200, $0x38;
	[tilespmem:$0x12740] =	vst v63  }
0xd5: {  	s28 =	rddreg [dreg:$0xd]  }
0xd6: {  	[tilespmem:s22], [sflag:$0x1] =	stream.linear.gather [hbm4b:s28+s2], $0x200, $0x38;
	[tilespmem:$0x12740] =	vst v63  }
0xd7: {  	s0 =	rddreg [dreg:$0xe]  }
0xd8: {  	[tilespmem:s25], [sflag:$0x1] =	stream.linear.gather [hbm4b:s0+s2], $0x200, $0x38;
	[tilespmem:$0x12740] =	vst v63  }
0xd9: {  	s0 =	sld [smem:$0x7F7]  }
0xda: {  	s28 =	rddreg [dreg:$0xf]  }
0xdb: {  	[tilespmem:s18], [sflag:$0x1] =	stream.linear.gather [hbm4b:s28+s2], $0x200, $0x38;
	[tilespmem:$0x12740] =	vst v63  }
0xdc: {  	[spmem:s0], [sflag:s29] =	dma.local @!p0 [hbm:s1], $0xC80  }
0xdd: {  	_ =	swait.ge @!p0 [sflag:s30], $0xC80  }
0xde: {  	[sflag:s30] =	ssyncset.done @!p0 $0x0  }
0xdf: {  	[sflag:s30] =	ssyncadd.s32 @!p0 $0xFFFFF380  }
0xe0: {  	_ =	swait.ge [sflag:s26], $0x200  }
0xe1: {  	[sflag:s26] =	ssyncset.done $0x0  }
0xe2: {  	[sflag:s26] =	ssyncadd.s32 $0xFFFFFE00  }
0xe3: {  	_ =	swait.ge [sflag:s26], $0x200  }
0xe4: {  	[sflag:s26] =	ssyncset.done $0x0  }
0xe5: {  	[sflag:s26] =	ssyncadd.s32 $0xFFFFFE00  }
0xe6: {  	_ =	swait.ge [sflag:s26], $0x200  }
0xe7: {  	[sflag:s26] =	ssyncset.done $0x0  }
0xe8: {  	[sflag:s26] =	ssyncadd.s32 $0xFFFFFE00  }
0xe9: {  	_ =	swait.ge [sflag:s26], $0x200  }
0xea: {  	[sflag:s26] =	ssyncset.done $0x0  }
0xeb: {  	[sflag:s26] =	ssyncadd.s32 $0xFFFFFE00  }
0xec: {  	[tilespmem:s16], [sflag:$0x3] =	stream.indirect.gather [hbm4b:s4+s5], $0x80, s2, s5, $0xb8;
	[tilespmem:$0x12740] =	vst v63  }
0xed: {  	_ = 	snop  }
0xee: {  	[tilespmem:s12], [sflag:$0x4] =	stream.indirect.gather [hbm4b:s4+s5], $0x80, s5, s5, $0xb8;
	[tilespmem:$0x12740] =	vst v63  }
0xef: {  	_ =	swait.ge [sflag:s17], $0x4000  }
0xf0: {  	[sflag:s17] =	ssyncset.done $0x0;
	s1 =	rddreg [dreg:$0x11]  }
0xf1: {  	s28 =	sld [smem:$0x7F8];
	[sflag:s17] =	ssyncadd.s32 $0xFFFFC000  }
0xf2: {  	[hbm4b:s1+s2] =	stream.linear.scatter [tilespmem:s16], [sflag:$0x7], $0x4000, $0x38;
	[tilespmem:$0x12740] =	vst v63  }
0xf3: {  	_ = 	snop  }
0xf4: {  	[tilespmem:s9], [sflag:$0x5] =	stream.indirect.gather [hbm4b:s4+s5], $0x80, s28, s5, $0xb8;
	[tilespmem:$0x12740] =	vst v63  }
0xf5: {  	_ =	swait.ge [sflag:s15], $0x4000  }
0xf6: {  	[sflag:s15] =	ssyncset.done $0x0;
	s1 =	rddreg [dreg:$0x12]  }
0xf7: {  	s28 =	sld [smem:$0x7F9];
	[sflag:s15] =	ssyncadd.s32 $0xFFFFC000  }
0xf8: {  	[hbm4b:s1+s2] =	stream.linear.scatter [tilespmem:s12], [sflag:$0x8], $0x4000, $0x38;
	[tilespmem:$0x12740] =	vst v63  }
0xf9: {  	_ = 	snop  }
0xfa: {  	[tilespmem:s6], [sflag:$0x6] =	stream.indirect.gather [hbm4b:s4+s5], $0x80, s28, s5, $0xb8;
	[tilespmem:$0x12740] =	vst v63  }
0xfb: {  	_ =	swait.ge [sflag:s13], $0x4000  }
0xfc: {  	[sflag:s13] =	ssyncset.done $0x0  }
0xfd: {  	s1 =	rddreg [dreg:$0x13];
	[sflag:s13] =	ssyncadd.s32 $0xFFFFC000  }
0xfe: {  	[hbm4b:s1+s2] =	stream.linear.scatter [tilespmem:s9], [sflag:$0x9], $0x4000, $0x38;
	[tilespmem:$0x12740] =	vst v63  }
0xff: {  	_ =	swait.ge [sflag:s7], $0x4000  }
0x100: {  	[sflag:s7] =	ssyncset.done $0x0  }
0x101: {  	[sflag:s7] =	ssyncadd.s32 $0xFFFFC000  }
0x102: {  	[tilespmem:s16], [sflag:$0x3] =	stream.indirect.gather [hbm4b:s4+s5], $0x80, s25, s5, $0xb8;
	[tilespmem:$0x12740] =	vst v63  }
0x103: {  	_ =	swait.ge [sflag:s14], $0x4000  }
0x104: {  	[sflag:s14] =	ssyncset.done $0x0  }
0x105: {  	s28 =	rddreg [dreg:$0x14];
	[sflag:s14] =	ssyncadd.s32 $0xFFFFC000  }
0x106: {  	[hbm4b:s28+s2] =	stream.linear.scatter [tilespmem:s6], [sflag:$0xA], $0x4000, $0x38;
	[tilespmem:$0x12740] =	vst v63  }
0x107: {  	_ =	swait.ge [sflag:s10], $0x4000  }
0x108: {  	s1 =	sld [smem:$0x7FA]  }
0x109: {  	[sflag:s10] =	ssyncset.done $0x0  }
0x10a: {  	[sflag:s10] =	ssyncadd.s32 $0xFFFFC000  }
0x10b: {  	[tilespmem:s12], [sflag:$0x4] =	stream.indirect.gather [hbm4b:s4+s5], $0x80, s1, s5, $0xb8;
	[tilespmem:$0x12740] =	vst v63  }
0x10c: {  	_ =	swait.ge [sflag:s17], $0x4000  }
0x10d: {  	[sflag:s17] =	ssyncset.done $0x0  }
0x10e: {  	s28 =	rddreg [dreg:$0x15];
	[sflag:s17] =	ssyncadd.s32 $0xFFFFC000  }
0x10f: {  	[hbm4b:s28+s2] =	stream.linear.scatter [tilespmem:s16], [sflag:$0x7], $0x4000, $0x38;
	[tilespmem:$0x12740] =	vst v63  }
0x110: {  	_ =	swait.ge [sflag:s11], $0x4000  }
0x111: {  	s1 =	sld [smem:$0x7FB]  }
0x112: {  	[sflag:s11] =	ssyncset.done $0x0  }
0x113: {  	[sflag:s11] =	ssyncadd.s32 $0xFFFFC000  }
0x114: {  	[tilespmem:s9], [sflag:$0x5] =	stream.indirect.gather [hbm4b:s4+s5], $0x80, s1, s5, $0xb8;
	[tilespmem:$0x12740] =	vst v63  }
0x115: {  	_ =	swait.ge [sflag:s15], $0x4000  }
0x116: {  	[sflag:s15] =	ssyncset.done $0x0  }
0x117: {  	s28 =	rddreg [dreg:$0x16];
	[sflag:s15] =	ssyncadd.s32 $0xFFFFC000  }
0x118: {  	[hbm4b:s28+s2] =	stream.linear.scatter [tilespmem:s12], [sflag:$0x8], $0x4000, $0x38;
	[tilespmem:$0x12740] =	vst v63  }
0x119: {  	_ =	swait.ge [sflag:s8], $0x4000  }
0x11a: {  	s1 =	sld [smem:$0x7FC]  }
0x11b: {  	[sflag:s8] =	ssyncset.done $0x0  }
0x11c: {  	[sflag:s8] =	ssyncadd.s32 $0xFFFFC000  }
0x11d: {  	[tilespmem:s6], [sflag:$0x6] =	stream.indirect.gather [hbm4b:s4+s5], $0x80, s1, s5, $0xb8;
	[tilespmem:$0x12740] =	vst v63  }
0x11e: {  	_ =	swait.ge [sflag:s13], $0x4000  }
0x11f: {  	[sflag:s13] =	ssyncset.done $0x0  }
0x120: {  	s28 =	rddreg [dreg:$0x17];
	[sflag:s13] =	ssyncadd.s32 $0xFFFFC000  }
0x121: {  	[hbm4b:s28+s2] =	stream.linear.scatter [tilespmem:s9], [sflag:$0x9], $0x4000, $0x38;
	[tilespmem:$0x12740] =	vst v63  }
0x122: {  	[bflag:$0x0] =	sbarrier.arrive $0xFFFF  }
0x123: {  	_ =	swait.ge [sflag:s7], $0x4000  }
0x124: {  	[sflag:s7] =	ssyncset.done $0x0  }
0x125: {  	[sflag:s7] =	ssyncadd.s32 $0xFFFFC000  }
0x126: {  	[tilespmem:s16], [sflag:$0x3] =	stream.indirect.gather [spmem:s3], $0x80, s22, s5, $0xb8;
	[tilespmem:$0x12740] =	vst v63  }
0x127: {  	_ =	swait.ge [sflag:s14], $0x4000  }
0x128: {  	[sflag:s14] =	ssyncset.done $0x0  }
0x129: {  	s1 =	rddreg [dreg:$0x18];
	[sflag:s14] =	ssyncadd.s32 $0xFFFFC000  }
0x12a: {  	[hbm4b:s1+s2] =	stream.linear.scatter [tilespmem:s6], [sflag:$0xA], $0x4000, $0x38;
	[tilespmem:$0x12740] =	vst v63  }
0x12b: {  	_ =	swait.ge [sflag:s10], $0x4000  }
0x12c: {  	s28 =	sld [smem:$0x7FD]  }
0x12d: {  	[sflag:s10] =	ssyncset.done $0x0  }
0x12e: {  	[sflag:s10] =	ssyncadd.s32 $0xFFFFC000  }
0x12f: {  	[tilespmem:s12], [sflag:$0x4] =	stream.indirect.gather [spmem:s3], $0x80, s28, s5, $0xb8;
	[tilespmem:$0x12740] =	vst v63  }
0x130: {  	_ =	swait.ge [sflag:s17], $0x4000  }
0x131: {  	[sflag:s17] =	ssyncset.done $0x0  }
0x132: {  	s1 =	rddreg [dreg:$0x19];
	[sflag:s17] =	ssyncadd.s32 $0xFFFFC000  }
0x133: {  	[hbm4b:s1+s2] =	stream.linear.scatter [tilespmem:s16], [sflag:$0x7], $0x4000, $0x38;
	[tilespmem:$0x12740] =	vst v63  }
0x134: {  	_ =	swait.ge [sflag:s11], $0x4000  }
0x135: {  	[sflag:s11] =	ssyncset.done $0x0  }
0x136: {  	[sflag:s11] =	ssyncadd.s32 $0xFFFFC000  }
0x137: {  	[tilespmem:s9], [sflag:$0x5] =	stream.indirect.gather [spmem:s3], $0x80, s24, s5, $0xb8;
	[tilespmem:$0x12740] =	vst v63  }
0x138: {  	_ =	swait.ge [sflag:s15], $0x4000  }
0x139: {  	[sflag:s15] =	ssyncset.done $0x0  }
0x13a: {  	s28 =	rddreg [dreg:$0x1a];
	[sflag:s15] =	ssyncadd.s32 $0xFFFFC000  }
0x13b: {  	[hbm4b:s28+s2] =	stream.linear.scatter [tilespmem:s12], [sflag:$0x8], $0x4000, $0x38;
	[tilespmem:$0x12740] =	vst v63  }
0x13c: {  	_ =	swait.ge [sflag:s8], $0x4000  }
0x13d: {  	[sflag:s8] =	ssyncset.done $0x0  }
0x13e: {  	[sflag:s8] =	ssyncadd.s32 $0xFFFFC000  }
0x13f: {  	[tilespmem:s6], [sflag:$0x6] =	stream.indirect.gather [spmem:s3], $0x80, s23, s5, $0xb8;
	[tilespmem:$0x12740] =	vst v63  }
0x140: {  	_ =	swait.ge [sflag:s13], $0x4000  }
0x141: {  	[sflag:s13] =	ssyncset.done $0x0  }
0x142: {  	s1 =	rddreg [dreg:$0x1b];
	[sflag:s13] =	ssyncadd.s32 $0xFFFFC000  }
0x143: {  	[hbm4b:s1+s2] =	stream.linear.scatter [tilespmem:s9], [sflag:$0x9], $0x4000, $0x38;
	[tilespmem:$0x12740] =	vst v63  }
0x144: {  	_ =	swait.ge [sflag:s7], $0x4000  }
0x145: {  	[sflag:s7] =	ssyncset.done $0x0  }
0x146: {  	[sflag:s7] =	ssyncadd.s32 $0xFFFFC000  }
0x147: {  	[tilespmem:s16], [sflag:$0x3] =	stream.indirect.gather [spmem:s3], $0x80, s18, s5, $0xb8;
	[tilespmem:$0x12740] =	vst v63  }
0x148: {  	_ =	swait.ge [sflag:s14], $0x4000  }
0x149: {  	[sflag:s14] =	ssyncset.done $0x0  }
0x14a: {  	s28 =	rddreg [dreg:$0x1c];
	[sflag:s14] =	ssyncadd.s32 $0xFFFFC000  }
0x14b: {  	[hbm4b:s28+s2] =	stream.linear.scatter [tilespmem:s6], [sflag:$0xA], $0x4000, $0x38;
	[tilespmem:$0x12740] =	vst v63  }
0x14c: {  	_ =	swait.ge [sflag:s10], $0x4000  }
0x14d: {  	[sflag:s10] =	ssyncset.done $0x0  }
0x14e: {  	[sflag:s10] =	ssyncadd.s32 $0xFFFFC000  }
0x14f: {  	[tilespmem:s12], [sflag:$0x4] =	stream.indirect.gather [spmem:s3], $0x80, s21, s5, $0xb8;
	[tilespmem:$0x12740] =	vst v63  }
0x150: {  	_ =	swait.ge [sflag:s17], $0x4000  }
0x151: {  	[sflag:s17] =	ssyncset.done $0x0  }
0x152: {  	s1 =	rddreg [dreg:$0x1d];
	[sflag:s17] =	ssyncadd.s32 $0xFFFFC000  }
0x153: {  	[hbm4b:s1+s2] =	stream.linear.scatter [tilespmem:s16], [sflag:$0x7], $0x4000, $0x38;
	[tilespmem:$0x12740] =	vst v63  }
0x154: {  	_ =	swait.ge [sflag:s11], $0x4000  }
0x155: {  	[sflag:s11] =	ssyncset.done $0x0  }
0x156: {  	[sflag:s11] =	ssyncadd.s32 $0xFFFFC000  }
0x157: {  	[tilespmem:s9], [sflag:$0x5] =	stream.indirect.gather [spmem:s3], $0x80, s20, s5, $0xb8;
	[tilespmem:$0x12740] =	vst v63  }
0x158: {  	_ =	swait.ge [sflag:s15], $0x4000  }
0x159: {  	[sflag:s15] =	ssyncset.done $0x0  }
0x15a: {  	s28 =	rddreg [dreg:$0x1e];
	[sflag:s15] =	ssyncadd.s32 $0xFFFFC000  }
0x15b: {  	[hbm4b:s28+s2] =	stream.linear.scatter [tilespmem:s12], [sflag:$0x8], $0x4000, $0x38;
	[tilespmem:$0x12740] =	vst v63  }
0x15c: {  	_ =	swait.ge [sflag:s8], $0x4000  }
0x15d: {  	[sflag:s8] =	ssyncset.done $0x0  }
0x15e: {  	[sflag:s8] =	ssyncadd.s32 $0xFFFFC000  }
0x15f: {  	[tilespmem:s6], [sflag:$0x6] =	stream.indirect.gather [spmem:s3], $0x80, s19, s5, $0xb8;
	[tilespmem:$0x12740] =	vst v63  }
0x160: {  	_ =	swait.ge [sflag:s13], $0x4000  }
0x161: {  	[sflag:s13] =	ssyncset.done $0x0  }
0x162: {  	s1 =	rddreg [dreg:$0x1f];
	[sflag:s13] =	ssyncadd.s32 $0xFFFFC000  }
0x163: {  	[hbm4b:s1+s2] =	stream.linear.scatter [tilespmem:s9], [sflag:$0x9], $0x4000, $0x38;
	[tilespmem:$0x12740] =	vst v63  }
0x164: {  	_ =	swait.ge [sflag:s14], $0x4000  }
0x165: {  	s28 =	sld [smem:$0x7F6]  }
0x166: {  	[sflag:s14] =	ssyncset.done $0x0  }
0x167: {  	[sflag:s14] =	ssyncadd.s32 $0xFFFFC000  }
0x168: {  	[hbm4b:s28+s2] =	stream.linear.scatter [tilespmem:s6], [sflag:$0xA], $0x4000, $0x38;
	[tilespmem:$0x12740] =	vst v63  }
0x169: {  	_ =	swait.ge [sflag:s7], $0x4000  }
0x16a: {  	[sflag:s7] =	ssyncset.done $0x0  }
0x16b: {  	[sflag:s7] =	ssyncadd.s32 $0xFFFFC000  }
0x16c: {  	s31 =	sadd.s32 $0xFFFFFFFF, s31;
	_ =	swait.ge [sflag:s10], $0x4000  }
0x16d: {  	p2 =	sne.s32 s31, $0x0;
	[sflag:s10] =	ssyncset.done $0x0  }
.Ltmp2:
0x16e: {  	[sflag:s10] =	ssyncadd.s32 $0xFFFFC000;
	(pc) =	sbr.rel @p2 .LBB2_3-.Ltmp2, $4  }
0x16f: {  	_ =	swait.ge [sflag:s11], $0x4000  }
0x170: {  	[sflag:s11] =	ssyncset.done $0x0  }
0x171: {  	[sflag:s11] =	ssyncadd.s32 $0xFFFFC000  }
0x172: {  	_ =	swait.ge [sflag:s8], $0x4000  }
0x173: {  	s30 =	rddreg [dreg:$0xb]  }
0x174: {  	s29 =	stileid.u32;
	s31 =	sld [smem:$0x7F5]  }
.LBB2_5:
0x175: {  	s0 =	rddreg [dreg:$0xc];
	[sflag:s8] =	ssyncset.done @p1 $0x0  }
0x176: {  	s1 =	rddreg [dreg:$0xd];
	[sflag:s8] =	ssyncadd.s32 @p1 $0xFFFFC000  }
0x177: {  	[tilespmem:s2], [sflag:$0x1] =	stream.linear.gather [hbm4b:s0+s2], $0x200, $0x38;
	[tilespmem:$0x12740] =	vst v63  }
0x178: {  	s28 =	rddreg [dreg:$0xe]  }
0x179: {  	[tilespmem:s22], [sflag:$0x1] =	stream.linear.gather [hbm4b:s1+s2], $0x200, $0x38;
	[tilespmem:$0x12740] =	vst v63  }
0x17a: {  	s0 =	rddreg [dreg:$0xf]  }
0x17b: {  	[tilespmem:s25], [sflag:$0x1] =	stream.linear.gather [hbm4b:s28+s2], $0x200, $0x38;
	[tilespmem:$0x12740] =	vst v63  }
0x17c: {  	s28 =	sld [smem:$0x7F7]  }
0x17d: {  	[tilespmem:s18], [sflag:$0x1] =	stream.linear.gather [hbm4b:s0+s2], $0x200, $0x38;
	[tilespmem:$0x12740] =	vst v63  }
0x17e: {  	s1 =	rddreg [dreg:$0x10];
	s0 =	sor.u32 @!p0 $0x1C02, s31  }
0x17f: {  	[spmem:s28], [sflag:s0] =	dma.local @!p0 [hbm:s1], $0xC80  }
0x180: {  	s0 =	simm.s32 @!p0 $0x2  }
0x181: {  	_ =	swait.ge @!p0 [sflag:s0], $0xC80  }
0x182: {  	[sflag:s0] =	ssyncset.done @!p0 $0x0  }
0x183: {  	[sflag:s0] =	ssyncadd.s32 @!p0 $0xFFFFF380  }
0x184: {  	_ =	swait.ge [sflag:s26], $0x200  }
0x185: {  	[sflag:s26] =	ssyncset.done $0x0  }
0x186: {  	[sflag:s26] =	ssyncadd.s32 $0xFFFFFE00  }
0x187: {  	_ =	swait.ge [sflag:s26], $0x200  }
0x188: {  	[sflag:s26] =	ssyncset.done $0x0  }
0x189: {  	[sflag:s26] =	ssyncadd.s32 $0xFFFFFE00  }
0x18a: {  	_ =	swait.ge [sflag:s26], $0x200  }
0x18b: {  	[sflag:s26] =	ssyncset.done $0x0  }
0x18c: {  	[sflag:s26] =	ssyncadd.s32 $0xFFFFFE00  }
0x18d: {  	_ =	swait.ge [sflag:s26], $0x200  }
0x18e: {  	[sflag:s26] =	ssyncset.done $0x0  }
0x18f: {  	[sflag:s26] =	ssyncadd.s32 $0xFFFFFE00  }
0x190: {  	[tilespmem:s16], [sflag:$0x3] =	stream.indirect.gather [hbm4b:s4+s5], $0x80, s2, s5, $0xb8;
	[tilespmem:$0x12740] =	vst v63  }
0x191: {  	_ = 	snop  }
0x192: {  	[tilespmem:s12], [sflag:$0x4] =	stream.indirect.gather [hbm4b:s4+s5], $0x80, s5, s5, $0xb8;
	[tilespmem:$0x12740] =	vst v63  }
0x193: {  	_ =	swait.ge [sflag:s17], $0x4000  }
0x194: {  	s1 =	rddreg [dreg:$0x11];
	[sflag:s17] =	ssyncset.done $0x0  }
0x195: {  	s26 =	sld [smem:$0x7F8];
	[sflag:s17] =	ssyncadd.s32 $0xFFFFC000  }
0x196: {  	[hbm4b:s1+s2] =	stream.linear.scatter [tilespmem:s16], [sflag:$0x7], $0x4000, $0x38;
	[tilespmem:$0x12740] =	vst v63  }
0x197: {  	_ = 	snop  }
0x198: {  	[tilespmem:s9], [sflag:$0x5] =	stream.indirect.gather [hbm4b:s4+s5], $0x80, s26, s5, $0xb8;
	[tilespmem:$0x12740] =	vst v63  }
0x199: {  	_ =	swait.ge [sflag:s15], $0x4000  }
0x19a: {  	s28 =	rddreg [dreg:$0x12];
	[sflag:s15] =	ssyncset.done $0x0  }
0x19b: {  	s31 =	sld [smem:$0x7F9];
	[sflag:s15] =	ssyncadd.s32 $0xFFFFC000  }
0x19c: {  	[hbm4b:s28+s2] =	stream.linear.scatter [tilespmem:s12], [sflag:$0x8], $0x4000, $0x38;
	[tilespmem:$0x12740] =	vst v63  }
0x19d: {  	_ = 	snop  }
0x19e: {  	[tilespmem:s6], [sflag:$0x6] =	stream.indirect.gather [hbm4b:s4+s5], $0x80, s31, s5, $0xb8;
	[tilespmem:$0x12740] =	vst v63  }
0x19f: {  	_ =	swait.ge [sflag:s13], $0x4000  }
0x1a0: {  	[sflag:s13] =	ssyncset.done $0x0  }
0x1a1: {  	s1 =	rddreg [dreg:$0x13];
	[sflag:s13] =	ssyncadd.s32 $0xFFFFC000  }
0x1a2: {  	[hbm4b:s1+s2] =	stream.linear.scatter [tilespmem:s9], [sflag:$0x9], $0x4000, $0x38;
	[tilespmem:$0x12740] =	vst v63  }
0x1a3: {  	_ =	swait.ge [sflag:s7], $0x4000  }
0x1a4: {  	[sflag:s7] =	ssyncset.done $0x0  }
0x1a5: {  	[sflag:s7] =	ssyncadd.s32 $0xFFFFC000  }
0x1a6: {  	[tilespmem:s16], [sflag:$0x3] =	stream.indirect.gather [hbm4b:s4+s5], $0x80, s25, s5, $0xb8;
	[tilespmem:$0x12740] =	vst v63  }
0x1a7: {  	_ =	swait.ge [sflag:s14], $0x4000  }
0x1a8: {  	[sflag:s14] =	ssyncset.done $0x0  }
0x1a9: {  	s26 =	rddreg [dreg:$0x14];
	[sflag:s14] =	ssyncadd.s32 $0xFFFFC000  }
0x1aa: {  	[hbm4b:s26+s2] =	stream.linear.scatter [tilespmem:s6], [sflag:$0xA], $0x4000, $0x38;
	[tilespmem:$0x12740] =	vst v63  }
0x1ab: {  	_ =	swait.ge [sflag:s10], $0x4000  }
0x1ac: {  	s28 =	sld [smem:$0x7FA]  }
0x1ad: {  	[sflag:s10] =	ssyncset.done $0x0  }
0x1ae: {  	[sflag:s10] =	ssyncadd.s32 $0xFFFFC000  }
0x1af: {  	[tilespmem:s12], [sflag:$0x4] =	stream.indirect.gather [hbm4b:s4+s5], $0x80, s28, s5, $0xb8;
	[tilespmem:$0x12740] =	vst v63  }
0x1b0: {  	_ =	swait.ge [sflag:s17], $0x4000  }
0x1b1: {  	[sflag:s17] =	ssyncset.done $0x0  }
0x1b2: {  	s31 =	rddreg [dreg:$0x15];
	[sflag:s17] =	ssyncadd.s32 $0xFFFFC000  }
0x1b3: {  	[hbm4b:s31+s2] =	stream.linear.scatter [tilespmem:s16], [sflag:$0x7], $0x4000, $0x38;
	[tilespmem:$0x12740] =	vst v63  }
0x1b4: {  	_ =	swait.ge [sflag:s11], $0x4000  }
0x1b5: {  	s1 =	sld [smem:$0x7FB]  }
0x1b6: {  	[sflag:s11] =	ssyncset.done $0x0  }
0x1b7: {  	[sflag:s11] =	ssyncadd.s32 $0xFFFFC000  }
0x1b8: {  	[tilespmem:s9], [sflag:$0x5] =	stream.indirect.gather [hbm4b:s4+s5], $0x80, s1, s5, $0xb8;
	[tilespmem:$0x12740] =	vst v63  }
0x1b9: {  	_ =	swait.ge [sflag:s15], $0x4000  }
0x1ba: {  	[sflag:s15] =	ssyncset.done $0x0  }
0x1bb: {  	s25 =	rddreg [dreg:$0x16];
	[sflag:s15] =	ssyncadd.s32 $0xFFFFC000  }
0x1bc: {  	[hbm4b:s25+s2] =	stream.linear.scatter [tilespmem:s12], [sflag:$0x8], $0x4000, $0x38;
	[tilespmem:$0x12740] =	vst v63  }
0x1bd: {  	_ =	swait.ge [sflag:s8], $0x4000  }
0x1be: {  	s26 =	sld [smem:$0x7FC]  }
0x1bf: {  	[sflag:s8] =	ssyncset.done $0x0  }
0x1c0: {  	[sflag:s8] =	ssyncadd.s32 $0xFFFFC000  }
0x1c1: {  	[tilespmem:s6], [sflag:$0x6] =	stream.indirect.gather [hbm4b:s4+s5], $0x80, s26, s5, $0xb8;
	[tilespmem:$0x12740] =	vst v63  }
0x1c2: {  	_ =	swait.ge [sflag:s13], $0x4000  }
0x1c3: {  	[sflag:s13] =	ssyncset.done $0x0  }
0x1c4: {  	s28 =	rddreg [dreg:$0x17];
	[sflag:s13] =	ssyncadd.s32 $0xFFFFC000  }
0x1c5: {  	[hbm4b:s28+s2] =	stream.linear.scatter [tilespmem:s9], [sflag:$0x9], $0x4000, $0x38;
	[tilespmem:$0x12740] =	vst v63  }
0x1c6: {  	[bflag:$0x0] =	sbarrier.arrive $0xFFFF  }
0x1c7: {  	_ =	swait.ge [sflag:s7], $0x4000  }
0x1c8: {  	[sflag:s7] =	ssyncset.done $0x0  }
0x1c9: {  	[sflag:s7] =	ssyncadd.s32 $0xFFFFC000  }
0x1ca: {  	[tilespmem:s16], [sflag:$0x3] =	stream.indirect.gather [spmem:s3], $0x80, s22, s5, $0xb8;
	[tilespmem:$0x12740] =	vst v63  }
0x1cb: {  	_ =	swait.ge [sflag:s14], $0x4000  }
0x1cc: {  	[sflag:s14] =	ssyncset.done $0x0  }
0x1cd: {  	s31 =	rddreg [dreg:$0x18];
	[sflag:s14] =	ssyncadd.s32 $0xFFFFC000  }
0x1ce: {  	[hbm4b:s31+s2] =	stream.linear.scatter [tilespmem:s6], [sflag:$0xA], $0x4000, $0x38;
	[tilespmem:$0x12740] =	vst v63  }
0x1cf: {  	_ =	swait.ge [sflag:s10], $0x4000  }
0x1d0: {  	s1 =	sld [smem:$0x7FD]  }
0x1d1: {  	[sflag:s10] =	ssyncset.done $0x0  }
0x1d2: {  	[sflag:s10] =	ssyncadd.s32 $0xFFFFC000  }
0x1d3: {  	[tilespmem:s12], [sflag:$0x4] =	stream.indirect.gather [spmem:s3], $0x80, s1, s5, $0xb8;
	[tilespmem:$0x12740] =	vst v63  }
0x1d4: {  	_ =	swait.ge [sflag:s17], $0x4000  }
0x1d5: {  	[sflag:s17] =	ssyncset.done $0x0  }
0x1d6: {  	s4 =	rddreg [dreg:$0x19];
	[sflag:s17] =	ssyncadd.s32 $0xFFFFC000  }
0x1d7: {  	[hbm4b:s4+s2] =	stream.linear.scatter [tilespmem:s16], [sflag:$0x7], $0x4000, $0x38;
	[tilespmem:$0x12740] =	vst v63  }
0x1d8: {  	_ =	swait.ge [sflag:s11], $0x4000  }
0x1d9: {  	[sflag:s11] =	ssyncset.done $0x0  }
0x1da: {  	[sflag:s11] =	ssyncadd.s32 $0xFFFFC000  }
0x1db: {  	[tilespmem:s9], [sflag:$0x5] =	stream.indirect.gather [spmem:s3], $0x80, s24, s5, $0xb8;
	[tilespmem:$0x12740] =	vst v63  }
0x1dc: {  	_ =	swait.ge [sflag:s15], $0x4000  }
0x1dd: {  	[sflag:s15] =	ssyncset.done $0x0  }
0x1de: {  	s22 =	rddreg [dreg:$0x1a];
	[sflag:s15] =	ssyncadd.s32 $0xFFFFC000  }
0x1df: {  	[hbm4b:s22+s2] =	stream.linear.scatter [tilespmem:s12], [sflag:$0x8], $0x4000, $0x38;
	[tilespmem:$0x12740] =	vst v63  }
0x1e0: {  	_ =	swait.ge [sflag:s8], $0x4000  }
0x1e1: {  	[sflag:s8] =	ssyncset.done $0x0  }
0x1e2: {  	[sflag:s8] =	ssyncadd.s32 $0xFFFFC000  }
0x1e3: {  	[tilespmem:s6], [sflag:$0x6] =	stream.indirect.gather [spmem:s3], $0x80, s23, s5, $0xb8;
	[tilespmem:$0x12740] =	vst v63  }
0x1e4: {  	_ =	swait.ge [sflag:s13], $0x4000  }
0x1e5: {  	[sflag:s13] =	ssyncset.done $0x0  }
0x1e6: {  	s23 =	rddreg [dreg:$0x1b];
	[sflag:s13] =	ssyncadd.s32 $0xFFFFC000  }
0x1e7: {  	[hbm4b:s23+s2] =	stream.linear.scatter [tilespmem:s9], [sflag:$0x9], $0x4000, $0x38;
	[tilespmem:$0x12740] =	vst v63  }
0x1e8: {  	_ =	swait.ge [sflag:s7], $0x4000  }
0x1e9: {  	[sflag:s7] =	ssyncset.done $0x0  }
0x1ea: {  	[sflag:s7] =	ssyncadd.s32 $0xFFFFC000  }
0x1eb: {  	[tilespmem:s16], [sflag:$0x3] =	stream.indirect.gather [spmem:s3], $0x80, s18, s5, $0xb8;
	[tilespmem:$0x12740] =	vst v63  }
0x1ec: {  	_ =	swait.ge [sflag:s14], $0x4000  }
0x1ed: {  	[sflag:s14] =	ssyncset.done $0x0  }
0x1ee: {  	s24 =	rddreg [dreg:$0x1c];
	[sflag:s14] =	ssyncadd.s32 $0xFFFFC000  }
0x1ef: {  	[hbm4b:s24+s2] =	stream.linear.scatter [tilespmem:s6], [sflag:$0xA], $0x4000, $0x38;
	[tilespmem:$0x12740] =	vst v63  }
0x1f0: {  	_ =	swait.ge [sflag:s10], $0x4000  }
0x1f1: {  	[sflag:s10] =	ssyncset.done $0x0  }
0x1f2: {  	[sflag:s10] =	ssyncadd.s32 $0xFFFFC000  }
0x1f3: {  	[tilespmem:s12], [sflag:$0x4] =	stream.indirect.gather [spmem:s3], $0x80, s21, s5, $0xb8;
	[tilespmem:$0x12740] =	vst v63  }
0x1f4: {  	_ =	swait.ge [sflag:s17], $0x4000  }
0x1f5: {  	[sflag:s17] =	ssyncset.done $0x0  }
0x1f6: {  	s25 =	rddreg [dreg:$0x1d];
	[sflag:s17] =	ssyncadd.s32 $0xFFFFC000  }
0x1f7: {  	[hbm4b:s25+s2] =	stream.linear.scatter [tilespmem:s16], [sflag:$0x7], $0x4000, $0x38;
	[tilespmem:$0x12740] =	vst v63  }
0x1f8: {  	_ =	swait.ge [sflag:s11], $0x4000  }
0x1f9: {  	[sflag:s11] =	ssyncset.done $0x0  }
0x1fa: {  	[sflag:s11] =	ssyncadd.s32 $0xFFFFC000  }
0x1fb: {  	[tilespmem:s9], [sflag:$0x5] =	stream.indirect.gather [spmem:s3], $0x80, s20, s5, $0xb8;
	[tilespmem:$0x12740] =	vst v63  }
0x1fc: {  	_ =	swait.ge [sflag:s15], $0x4000  }
0x1fd: {  	[sflag:s15] =	ssyncset.done $0x0  }
0x1fe: {  	s26 =	rddreg [dreg:$0x1e];
	[sflag:s15] =	ssyncadd.s32 $0xFFFFC000  }
0x1ff: {  	[hbm4b:s26+s2] =	stream.linear.scatter [tilespmem:s12], [sflag:$0x8], $0x4000, $0x38;
	[tilespmem:$0x12740] =	vst v63  }
0x200: {  	_ =	swait.ge [sflag:s8], $0x4000  }
0x201: {  	[sflag:s8] =	ssyncset.done $0x0  }
0x202: {  	[sflag:s8] =	ssyncadd.s32 $0xFFFFC000  }
0x203: {  	[tilespmem:s6], [sflag:$0x6] =	stream.indirect.gather [spmem:s3], $0x80, s19, s5, $0xb8;
	[tilespmem:$0x12740] =	vst v63  }
0x204: {  	_ =	swait.ge [sflag:s13], $0x4000  }
0x205: {  	[sflag:s13] =	ssyncset.done $0x0  }
0x206: {  	s28 =	rddreg [dreg:$0x1f];
	[sflag:s13] =	ssyncadd.s32 $0xFFFFC000  }
0x207: {  	[hbm4b:s28+s2] =	stream.linear.scatter [tilespmem:s9], [sflag:$0x9], $0x4000, $0x38;
	[tilespmem:$0x12740] =	vst v63  }
0x208: {  	_ =	swait.ge [sflag:s14], $0x4000  }
0x209: {  	s31 =	sld [smem:$0x7F6]  }
0x20a: {  	[sflag:s14] =	ssyncset.done $0x0  }
0x20b: {  	[sflag:s14] =	ssyncadd.s32 $0xFFFFC000  }
0x20c: {  	[hbm4b:s31+s2] =	stream.linear.scatter [tilespmem:s6], [sflag:$0xA], $0x4000, $0x38;
	[tilespmem:$0x12740] =	vst v63  }
0x20d: {  	_ =	swait.ge [sflag:s7], $0x4000  }
0x20e: {  	[sflag:s7] =	ssyncset.done $0x0  }
0x20f: {  	[sflag:s7] =	ssyncadd.s32 $0xFFFFC000  }
0x210: {  	_ =	swait.ge [sflag:s10], $0x4000  }
0x211: {  	[sflag:s10] =	ssyncset.done $0x0  }
0x212: {  	[sflag:s10] =	ssyncadd.s32 $0xFFFFC000  }
0x213: {  	_ =	swait.ge [sflag:s11], $0x4000  }
0x214: {  	[sflag:s11] =	ssyncset.done $0x0  }
0x215: {  	[sflag:s11] =	ssyncadd.s32 $0xFFFFC000  }
0x216: {  	_ =	swait.ge [sflag:s8], $0x4000  }
0x217: {  	[sflag:s8] =	ssyncset.done $0x0  }
0x218: {  	[sflag:s8] =	ssyncadd.s32 $0xFFFFC000  }
0x219: {  	_ =	sfence.sel $0x180000  }
0x21a: {  	[bflag:$0x0] =	sbarrier.arrive $0xFFFF  }
0x21b: {  	p0 =	sne.s32 s29, $0x0;
	_ =	strace $0x90000047  }
0x21c: {  	s0 =	sadd.s32 @!p0 $0x100000, s30;
	[bflag:$0x2] =	sbarrier.arrive $0xFFFF  }
0x21d: {  	[sflag:s0] =	ssyncadd.tile.s32 @!p0 $0x1;
	_ =	shalt  }
.LBB2_2:
.Ltmp3:
0x21e: {  	(pc) =	sbr.rel .LBB2_5-.Ltmp3, $3  }
0x21f: {  	_ =	sdelay $0x1  }
0x220: {  	s30 =	rddreg [dreg:$0xb]  }
0x221: {  	s29 =	stileid.u32;
	s31 =	sld [smem:$0x7F5]  }
.Lfunc_end2:
_tile_overlayer_lowered:
.L_overlay_start_2:
0x222: {  	(tag) =	ssettag $0x2  }
0x223: {  	s0 =	rddreg [dreg:$0x0];
	s2 =	stileid.u32  }
0x224: {  	s1 =	rddreg [dreg:$0x1];
	p0 =	sne.s32 s2, $0x0  }
0x225: {  	s3 =	rddreg [dreg:$0x2];
	[bflag:$0x3] =	sbarrier.arrive $0xFFFF;
	s2 =	simm.s32 @!p0 $0x1C0B  }
0x226: {  	[timem:s3], [sflag:s2] =	dma.local @!p0 [hbm:s0], s1  }
0x227: {  	s0 =	simm.s32 @!p0 $0xB  }
0x228: {  	_ =	swait.ge @!p0 [sflag:s0], s1  }
0x229: {  	s1 =	ssub.s32 @!p0 $0x0, s1;
	[sflag:s0] =	ssyncset.done @!p0 $0x0  }
0x22a: {  	[sflag:s0] =	ssyncadd.s32 @!p0 s1  }
0x22b: {  	[bflag:$0x3] =	sbarrier.arrive $0xFFFF  }
0x22c: {  	_ =	shalt  }

</sc_bundles>
